<compile_context>
chip_gen: v7x
topology: tpu7x:2x2x1
jax: 0.10.2.dev20260603
libtpu: 0.0.44.dev20260713+nightly
codegen_flags: <defaults>
</compile_context>

<pallas_src>
import functools

import jax
import jax.numpy as jnp
from jax.experimental import pallas as pl
from jax.experimental.pallas import tpu as pltpu

N = 10000
T = 8
H = 128
R2 = 1.0


def _gru_body(x_ref, wih_ref, whh_ref, bih_ref, bhh_ref, out_ref, hlast_ref):
    bn = x_ref.shape[0]
    wih = wih_ref[...]
    whh = whh_ref[...]
    bih = bih_ref[...]
    bhh = bhh_ref[...]
    h = jnp.zeros((bn, H), dtype=jnp.float32)
    for t in range(T):
        x_t = x_ref[:, t, :]
        gi = jax.lax.dot_general(x_t, wih, (((1,), (1,)), ((), ())),
                                 preferred_element_type=jnp.float32) + bih
        gh = jax.lax.dot_general(h, whh, (((1,), (1,)), ((), ())),
                                 preferred_element_type=jnp.float32) + bhh
        r = jax.nn.sigmoid(gi[:, 0:H] + gh[:, 0:H])
        z = jax.nn.sigmoid(gi[:, H:2 * H] + gh[:, H:2 * H])
        n = jnp.tanh(gi[:, 2 * H:3 * H] + r * gh[:, 2 * H:3 * H])
        h = (1.0 - z) * n + z * h
        out_ref[:, t, :] = h
    hlast_ref[...] = h


def _gru_call(x_seq, W_ih, W_hh, b_ih, b_hh, block_n, interpret=False):
    n = x_seq.shape[0]
    grid = (n // block_n,)
    return pl.pallas_call(
        _gru_body,
        grid=grid,
        in_specs=[
            pl.BlockSpec((block_n, T, x_seq.shape[2]), lambda i: (i, 0, 0)),
            pl.BlockSpec(W_ih.shape, lambda i: (0, 0)),
            pl.BlockSpec(W_hh.shape, lambda i: (0, 0)),
            pl.BlockSpec((1, 3 * H), lambda i: (0, 0)),
            pl.BlockSpec((1, 3 * H), lambda i: (0, 0)),
        ],
        out_specs=[
            pl.BlockSpec((block_n, T, H), lambda i: (i, 0, 0)),
            pl.BlockSpec((block_n, H), lambda i: (i, 0)),
        ],
        out_shape=[
            jax.ShapeDtypeStruct((n, T, H), jnp.float32),
            jax.ShapeDtypeStruct((n, H), jnp.float32),
        ],
        interpret=interpret,
    )(x_seq, W_ih, W_hh, b_ih.reshape(1, -1), b_hh.reshape(1, -1))


def _agg_body(imap_ref, nvalid_ref, posj_ref, posti_ref, hi_ref, hj_ref,
              eye_ref, wf_ref, bf_ref, wp_ref, bp_ref, fused_ref, pred_ref,
              acc_ref, cnt_ref, *, num_i, bi, bj):
    k = pl.program_id(1)
    j = pl.program_id(0)

    @pl.when(k == 0)
    def _init():
        acc_ref[...] = jnp.zeros_like(acc_ref)
        cnt_ref[...] = jnp.zeros_like(cnt_ref)

    @pl.when(k < nvalid_ref[j])
    def _accumulate():
        i = imap_ref[j, k]
        posj = posj_ref[...]
        posti = posti_ref[...]
        sqj = jnp.sum(posj * posj, axis=1, keepdims=True)
        sqi_row = jnp.sum(posti * posti, axis=0, keepdims=True)
        cross = jax.lax.dot_general(posj.astype(jnp.bfloat16),
                                    posti.astype(jnp.bfloat16),
                                    (((1,), (0,)), ((), ())),
                                    preferred_element_type=jnp.float32)
        d2 = sqj + sqi_row - 2.0 * cross
        sel = jnp.where(i == j, 1e9, 0.0).astype(jnp.float32)
        d2 = d2 + eye_ref[...] * sel
        maskf = jnp.where(d2 <= R2, 1.0, 0.0)
        acc_ref[...] += jax.lax.dot_general(maskf.astype(jnp.bfloat16),
                                            hi_ref[...],
                                            (((1,), (0,)), ((), ())),
                                            preferred_element_type=jnp.float32)
        cnt_ref[...] += jnp.sum(maskf, axis=1, keepdims=True)

    @pl.when(k == num_i - 1)
    def _epilogue():
        msg = acc_ref[...] / jnp.maximum(cnt_ref[...], 1.0)
        hj = hj_ref[...]
        wf = wf_ref[...]
        f1 = jax.lax.dot_general(hj, wf[:, 0:H], (((1,), (1,)), ((), ())),
                                 preferred_element_type=jnp.float32)
        f2 = jax.lax.dot_general(msg, wf[:, H:2 * H], (((1,), (1,)), ((), ())),
                                 preferred_element_type=jnp.float32)
        fused = jnp.maximum(f1 + f2 + bf_ref[...], 0.0)
        fused_ref[...] = fused
        pred_ref[...] = jax.lax.dot_general(fused, wp_ref[...],
                                            (((1,), (1,)), ((), ())),
                                            preferred_element_type=jnp.float32
                                            ) + bp_ref[...]


def _agg_call(pos, h, imap, nvalid, W_fuse, b_fuse, W_pred, b_pred, block_j,
              block_i, interpret=False):
    n = pos.shape[0]
    nj, ni = n // block_j, n // block_i
    body = functools.partial(_agg_body, num_i=ni, bi=block_i, bj=block_j)
    grid_spec = pltpu.PrefetchScalarGridSpec(
        num_scalar_prefetch=2,
        grid=(nj, ni),
        in_specs=[
            pl.BlockSpec((block_j, 2), lambda j, k, m, nv: (j, 0)),
            pl.BlockSpec((2, block_i), lambda j, k, m, nv: (0, m[j, k])),
            pl.BlockSpec((block_i, H), lambda j, k, m, nv: (m[j, k], 0)),
            pl.BlockSpec((block_j, H), lambda j, k, m, nv: (j, 0)),
            pl.BlockSpec((block_j, block_i), lambda j, k, m, nv: (0, 0)),
            pl.BlockSpec(W_fuse.shape, lambda j, k, m, nv: (0, 0)),
            pl.BlockSpec((1, H), lambda j, k, m, nv: (0, 0)),
            pl.BlockSpec(W_pred.shape, lambda j, k, m, nv: (0, 0)),
            pl.BlockSpec((1, 2), lambda j, k, m, nv: (0, 0)),
        ],
        out_specs=[
            pl.BlockSpec((block_j, H), lambda j, k, m, nv: (j, 0)),
            pl.BlockSpec((block_j, 2), lambda j, k, m, nv: (j, 0)),
        ],
        scratch_shapes=[
            pltpu.VMEM((block_j, H), jnp.float32),
            pltpu.VMEM((block_j, 1), jnp.float32),
        ],
    )
    return pl.pallas_call(
        body,
        grid_spec=grid_spec,
        out_shape=[
            jax.ShapeDtypeStruct((n, H), jnp.float32),
            jax.ShapeDtypeStruct((n, 2), jnp.float32),
        ],
        interpret=interpret,
    )(imap, nvalid, pos, pos.T, h.astype(jnp.bfloat16), h,
      jnp.eye(block_j, block_i, dtype=jnp.float32), W_fuse,
      b_fuse.reshape(1, -1), W_pred, b_pred.reshape(1, -1))


def _build_schedule(pos, h_last, block):
    n = pos.shape[0]
    np_ = ((n + block - 1) // block) * block
    nb = np_ // block
    cx = jnp.clip(jnp.floor(pos[:, 0]), 0, 31).astype(jnp.int32)
    cy = jnp.clip(jnp.floor(pos[:, 1]), 0, 31).astype(jnp.int32)
    key = jnp.concatenate([cy * 32 + cx,
                           jnp.full((np_ - n,), 4096, jnp.int32)])
    sidx = jnp.argsort(key)
    pos_p = jnp.pad(pos, ((0, np_ - n), (0, 0)), constant_values=62.6)
    h_p = jnp.pad(h_last, ((0, np_ - n), (0, 0)))
    pos_s = pos_p[sidx]
    h_s = h_p[sidx]
    pb = pos_s.reshape(nb, block, 2)
    bmin = pb.min(axis=1)
    bmax = pb.max(axis=1)
    gap = jnp.maximum(
        jnp.maximum(bmin[:, None, :] - bmax[None, :, :],
                    bmin[None, :, :] - bmax[:, None, :]), 0.0)
    gap2 = jnp.sum(gap * gap, axis=-1)
    crossmax = (bmax[:, None, 0] * bmax[None, :, 0]
                + bmax[:, None, 1] * bmax[None, :, 1])
    bound = R2 + crossmax * (2.0 ** -7) * 1.01 + 1e-3
    valid = (gap2 <= bound).astype(jnp.int32)
    order = jnp.argsort(-valid, axis=1, stable=True).astype(jnp.int32)
    nvalid = jnp.sum(valid, axis=1, dtype=jnp.int32)
    last = jnp.take_along_axis(order, (nvalid - 1)[:, None], axis=1)
    imap = jnp.where(jnp.arange(nb, dtype=jnp.int32)[None, :]
                     < nvalid[:, None], order, last)
    inv = jnp.zeros((np_,), jnp.int32).at[sidx].set(
        jnp.arange(np_, dtype=jnp.int32))
    return pos_s, h_s, imap, nvalid, inv


def kernel(x_seq, pos_seq, W_ih, W_hh, b_ih, b_hh, W_fuse, b_fuse, W_pred,
           b_pred):
    temporal_out, h_last = _gru_call(x_seq, W_ih, W_hh, b_ih, b_hh, 1000)
    pos = pos_seq[:, -1, :]
    n = pos.shape[0]
    block = 1024
    pos_s, h_s, imap, nvalid, inv = _build_schedule(pos, h_last, block)
    fused_s, preds_s = _agg_call(pos_s, h_s, imap, nvalid, W_fuse, b_fuse,
                                 W_pred, b_pred, block, block)
    return (preds_s[inv[:n]], temporal_out, fused_s[inv[:n]])

# --- scband reference (transcript-rebuilt; emitter-appended) ---
"""Pipeline reference for scband-dynamic-graph-model-23579370455152 (READ-ONLY COPY).

The authoritative reference and input builder live on the scoring server;
editing this copy changes nothing except your own understanding.
"""

import jax, jax.numpy as jnp
import numpy as np

N = 10000
T = 8
INPUT_DIM = 128
HIDDEN_DIM = 128
FUSION_DIM = 128
MAX_RADIUS = 1.0
AREA_SIDE = 31.3  # uniform positions in [0, AREA_SIDE]^2 -> avg degree ~32 at r=1.0


def setup_inputs(seed: int = 0):
    key = jax.random.key(seed)
    ks = jax.random.split(key, 10)
    s_ih = 1.0 / np.sqrt(HIDDEN_DIM)
    inp = {}
    inp["x_seq"] = jax.random.normal(ks[0], (N, T, INPUT_DIM), dtype=jnp.float32)
    inp["pos_seq"] = jax.random.uniform(ks[1], (N, T, 2), dtype=jnp.float32) * AREA_SIDE
    inp["W_ih"] = jax.random.uniform(ks[2], (3 * HIDDEN_DIM, INPUT_DIM), jnp.float32, -s_ih, s_ih)
    inp["W_hh"] = jax.random.uniform(ks[3], (3 * HIDDEN_DIM, HIDDEN_DIM), jnp.float32, -s_ih, s_ih)
    inp["b_ih"] = jax.random.uniform(ks[4], (3 * HIDDEN_DIM,), jnp.float32, -s_ih, s_ih)
    inp["b_hh"] = jax.random.uniform(ks[5], (3 * HIDDEN_DIM,), jnp.float32, -s_ih, s_ih)
    s_f = 1.0 / np.sqrt(2 * HIDDEN_DIM)
    inp["W_fuse"] = jax.random.uniform(ks[6], (FUSION_DIM, 2 * HIDDEN_DIM), jnp.float32, -s_f, s_f)
    inp["b_fuse"] = jax.random.uniform(ks[7], (FUSION_DIM,), jnp.float32, -s_f, s_f)
    s_p = 1.0 / np.sqrt(FUSION_DIM)
    inp["W_pred"] = jax.random.uniform(ks[8], (2, FUSION_DIM), jnp.float32, -s_p, s_p)
    inp["b_pred"] = jax.random.uniform(ks[9], (2,), jnp.float32, -s_p, s_p)
    return inp


def gru_sequence(x_seq, W_ih, W_hh, b_ih, b_hh):
    h0 = jnp.zeros((x_seq.shape[0], HIDDEN_DIM), dtype=x_seq.dtype)

    def step(h, x_t):
        gi = x_t @ W_ih.T + b_ih
        gh = h @ W_hh.T + b_hh
        i_r, i_z, i_n = jnp.split(gi, 3, axis=-1)
        h_r, h_z, h_n = jnp.split(gh, 3, axis=-1)
        r = jax.nn.sigmoid(i_r + h_r)
        z = jax.nn.sigmoid(i_z + h_z)
        n = jnp.tanh(i_n + r * h_n)
        h_new = (1.0 - z) * n + z * h
        return h_new, h_new

    h_last, outs = jax.lax.scan(step, h0, jnp.transpose(x_seq, (1, 0, 2)))
    return jnp.transpose(outs, (1, 0, 2)), h_last


def radius_graph(pos, r):
    # all-pairs radius graph, no self loops (mirrors torch_geometric.radius_graph)
    sq = jnp.sum(pos * pos, axis=-1)
    d2 = sq[:, None] + sq[None, :] - 2.0 * (pos @ pos.T)
    mask = (d2 <= r * r) & (~jnp.eye(pos.shape[0], dtype=bool))
    return mask


def aggregate_neighbor_messages(hidden_states, adj_mask):
    def step(agg, inputs):
        m_i, h_i = inputs
        agg = agg + jnp.where(m_i[:, None], h_i[None, :], jnp.zeros((), dtype=hidden_states.dtype))
        return agg, None

    agg0 = jnp.zeros_like(hidden_states)
    agg, _ = jax.lax.scan(step, agg0, (adj_mask, hidden_states))
    counts = jnp.sum(adj_mask, axis=0).astype(hidden_states.dtype)
    counts = jnp.clip(counts, 1.0, None)[:, None]
    return agg / counts


def reference(x_seq, pos_seq, W_ih, W_hh, b_ih, b_hh, W_fuse, b_fuse, W_pred, b_pred):
    temporal_out, _hidden = gru_sequence(x_seq, W_ih, W_hh, b_ih, b_hh)
    current_state = temporal_out[:, -1, :]
    current_positions = pos_seq[:, -1, :]
    adj_mask = radius_graph(current_positions, MAX_RADIUS)
    neighbor_message = aggregate_neighbor_messages(current_state, adj_mask)
    fused = jax.nn.relu(jnp.concatenate([current_state, neighbor_message], axis=-1) @ W_fuse.T + b_fuse)
    predictions = fused @ W_pred.T + b_pred
    return (predictions, temporal_out, fused)

if __name__ == "__main__":
    import jax
    _d = setup_inputs()
    print(jax.jit(kernel)(*tuple(_d.values())))

</pallas_src>

<mosaic_0001>
module attributes {stable_mosaic.version = 14 : i64} {
  func.func @_gru_body(%arg0: i32, %arg1: memref<1000x8x128xf32, #tpu.memory_space<vmem>>, %arg2: memref<384x128xf32, #tpu.memory_space<vmem>>, %arg3: memref<384x128xf32, #tpu.memory_space<vmem>>, %arg4: memref<1x384xf32, #tpu.memory_space<vmem>>, %arg5: memref<1x384xf32, #tpu.memory_space<vmem>>, %arg6: memref<1000x8x128xf32, #tpu.memory_space<vmem>>, %arg7: memref<1000x128xf32, #tpu.memory_space<vmem>>) attributes {dimension_semantics = [#tpu.dimension_semantics<arbitrary>], iteration_bounds = array<i64: 10>, scalar_prefetch = 0 : i64, scratch_operands = 0 : i64, tpu.core_type = #tpu.core_type<tc>, window_params = [{transform_indices = @transform_0, window_bounds = array<i64: 1000, 8, 128>}, {pipeline_mode = #tpu.pipeline_mode<synchronous>, transform_indices = @transform_1, window_bounds = array<i64: 384, 128>}, {pipeline_mode = #tpu.pipeline_mode<synchronous>, transform_indices = @transform_2, window_bounds = array<i64: 384, 128>}, {pipeline_mode = #tpu.pipeline_mode<synchronous>, transform_indices = @transform_3, window_bounds = array<i64: 1, 384>}, {pipeline_mode = #tpu.pipeline_mode<synchronous>, transform_indices = @transform_4, window_bounds = array<i64: 1, 384>}, {transform_indices = @transform_5, window_bounds = array<i64: 1000, 8, 128>}, {transform_indices = @transform_6, window_bounds = array<i64: 1000, 128>}]} {
    %get3A = arith.constant 0 : index
    %get3A_0 = arith.constant 0 : index
    %get3A_1 = vector.load %arg2[%get3A, %get3A_0] : memref<384x128xf32, #tpu.memory_space<vmem>>, vector<384x128xf32>
    %get3A_2 = arith.constant 0 : index
    %get3A_3 = arith.constant 0 : index
    %get3A_4 = vector.load %arg3[%get3A_2, %get3A_3] : memref<384x128xf32, #tpu.memory_space<vmem>>, vector<384x128xf32>
    %get3A_5 = arith.constant 0 : index
    %get3A_6 = arith.constant 0 : index
    %get3A_7 = vector.load %arg4[%get3A_5, %get3A_6] : memref<1x384xf32, #tpu.memory_space<vmem>>, vector<1x384xf32>
    %get3A_8 = arith.constant 0 : index
    %get3A_9 = arith.constant 0 : index
    %get3A_10 = vector.load %arg5[%get3A_8, %get3A_9] : memref<1x384xf32, #tpu.memory_space<vmem>>, vector<1x384xf32>
    %broadcast_in_dim3A = arith.constant 0.000000e+00 : f32
    %broadcast_in_dim3A_11 = vector.broadcast %broadcast_in_dim3A : f32 to vector<1000x128xf32>
    %get3A_12 = arith.constant 0 : index
    %get3A_13 = arith.constant 0 : index
    %get3A_14 = arith.constant 0 : index
    %get3A_15 = vector.load %arg1[%get3A_12, %get3A_13, %get3A_14] : memref<1000x8x128xf32, #tpu.memory_space<vmem>>, vector<1000x1x128xf32>
    %get3A_16 = vector.shape_cast %get3A_15 : vector<1000x1x128xf32> to vector<1000x128xf32>
    %dot_general3A = arith.constant dense<0.000000e+00> : vector<1000x384xf32>
    %dot_general3A_17 = tpu.matmul %get3A_16, %get3A_1, %dot_general3A {dimension_numbers = #tpu.dot_dimension_numbers<[1], [1], [0], [0], [0, 0, 1, 0], [], []>, transpose_lhs_hint = false} : vector<1000x128xf32>, vector<384x128xf32>, vector<1000x384xf32> -> vector<1000x384xf32>
    %add3A = vector.broadcast %get3A_7 : vector<1x384xf32> to vector<1000x384xf32>
    %add3A_18 = arith.addf %dot_general3A_17, %add3A : vector<1000x384xf32>
    %dot_general3A_19 = arith.constant dense<0.000000e+00> : vector<1000x384xf32>
    %dot_general3A_20 = tpu.matmul %broadcast_in_dim3A_11, %get3A_4, %dot_general3A_19 {dimension_numbers = #tpu.dot_dimension_numbers<[1], [1], [0], [0], [0, 0, 1, 0], [], []>, transpose_lhs_hint = false} : vector<1000x128xf32>, vector<384x128xf32>, vector<1000x384xf32> -> vector<1000x384xf32>
    %add3A_21 = vector.broadcast %get3A_10 : vector<1x384xf32> to vector<1000x384xf32>
    %add3A_22 = arith.addf %dot_general3A_20, %add3A_21 : vector<1000x384xf32>
    %slice3A = vector.extract_strided_slice %add3A_18 {offsets = [0, 0], sizes = [1000, 128], strides = [1, 1]} : vector<1000x384xf32> to vector<1000x128xf32>
    %slice3A_23 = vector.extract_strided_slice %add3A_22 {offsets = [0, 0], sizes = [1000, 128], strides = [1, 1]} : vector<1000x384xf32> to vector<1000x128xf32>
    %add3A_24 = arith.addf %slice3A, %slice3A_23 : vector<1000x128xf32>
    %logistic3A = arith.negf %add3A_24 : vector<1000x128xf32>
    %logistic3A_25 = math.exp %logistic3A : vector<1000x128xf32>
    %logistic3A_26 = arith.constant 1.000000e+00 : f32
    %logistic3A_27 = vector.broadcast %logistic3A_26 : f32 to vector<1000x128xf32>
    %logistic3A_28 = arith.addf %logistic3A_27, %logistic3A_25 : vector<1000x128xf32>
    %logistic3A_29 = arith.divf %logistic3A_27, %logistic3A_28 : vector<1000x128xf32>
    %slice3A_30 = vector.extract_strided_slice %add3A_18 {offsets = [0, 128], sizes = [1000, 128], strides = [1, 1]} : vector<1000x384xf32> to vector<1000x128xf32>
    %slice3A_31 = vector.extract_strided_slice %add3A_22 {offsets = [0, 128], sizes = [1000, 128], strides = [1, 1]} : vector<1000x384xf32> to vector<1000x128xf32>
    %add3A_32 = arith.addf %slice3A_30, %slice3A_31 : vector<1000x128xf32>
    %logistic3A_33 = arith.negf %add3A_32 : vector<1000x128xf32>
    %logistic3A_34 = math.exp %logistic3A_33 : vector<1000x128xf32>
    %logistic3A_35 = arith.constant 1.000000e+00 : f32
    %logistic3A_36 = vector.broadcast %logistic3A_35 : f32 to vector<1000x128xf32>
    %logistic3A_37 = arith.addf %logistic3A_36, %logistic3A_34 : vector<1000x128xf32>
    %logistic3A_38 = arith.divf %logistic3A_36, %logistic3A_37 : vector<1000x128xf32>
    %slice3A_39 = vector.extract_strided_slice %add3A_18 {offsets = [0, 256], sizes = [1000, 128], strides = [1, 1]} : vector<1000x384xf32> to vector<1000x128xf32>
    %slice3A_40 = vector.extract_strided_slice %add3A_22 {offsets = [0, 256], sizes = [1000, 128], strides = [1, 1]} : vector<1000x384xf32> to vector<1000x128xf32>
    %mul3A = arith.mulf %logistic3A_29, %slice3A_40 : vector<1000x128xf32>
    %add3A_41 = arith.addf %slice3A_39, %mul3A : vector<1000x128xf32>
    %tanh3A = math.tanh %add3A_41 : vector<1000x128xf32>
    %sub3A = arith.constant 1.000000e+00 : f32
    %sub3A_42 = vector.broadcast %sub3A : f32 to vector<1000x128xf32>
    %sub3A_43 = arith.subf %sub3A_42, %logistic3A_38 : vector<1000x128xf32>
    %mul3A_44 = arith.mulf %sub3A_43, %tanh3A : vector<1000x128xf32>
    %mul3A_45 = arith.mulf %logistic3A_38, %broadcast_in_dim3A_11 : vector<1000x128xf32>
    %add3A_46 = arith.addf %mul3A_44, %mul3A_45 : vector<1000x128xf32>
    %swap3A = arith.constant 0 : index
    %swap3A_47 = arith.constant 0 : index
    %swap3A_48 = arith.constant 0 : index
    %swap3A_49 = vector.load %arg6[%swap3A, %swap3A_47, %swap3A_48] : memref<1000x8x128xf32, #tpu.memory_space<vmem>>, vector<1000x1x128xf32>
    %swap3A_50 = vector.shape_cast %swap3A_49 : vector<1000x1x128xf32> to vector<1000x128xf32>
    %swap3A_51 = vector.shape_cast %add3A_46 : vector<1000x128xf32> to vector<1000x1x128xf32>
    tpu.vector_store %arg6[%swap3A, %swap3A_47, %swap3A_48], %swap3A_51 {strides = array<i32>} : memref<1000x8x128xf32, #tpu.memory_space<vmem>>, vector<1000x1x128xf32>,
    %get3A_52 = arith.constant 0 : index
    %get3A_53 = arith.constant 1 : index
    %get3A_54 = arith.constant 0 : index
    %get3A_55 = vector.load %arg1[%get3A_52, %get3A_53, %get3A_54] : memref<1000x8x128xf32, #tpu.memory_space<vmem>>, vector<1000x1x128xf32>
    %get3A_56 = vector.shape_cast %get3A_55 : vector<1000x1x128xf32> to vector<1000x128xf32>
    %dot_general3A_57 = arith.constant dense<0.000000e+00> : vector<1000x384xf32>
    %dot_general3A_58 = tpu.matmul %get3A_56, %get3A_1, %dot_general3A_57 {dimension_numbers = #tpu.dot_dimension_numbers<[1], [1], [0], [0], [0, 0, 1, 0], [], []>, transpose_lhs_hint = false} : vector<1000x128xf32>, vector<384x128xf32>, vector<1000x384xf32> -> vector<1000x384xf32>
    %add3A_59 = vector.broadcast %get3A_7 : vector<1x384xf32> to vector<1000x384xf32>
    %add3A_60 = arith.addf %dot_general3A_58, %add3A_59 : vector<1000x384xf32>
    %dot_general3A_61 = arith.constant dense<0.000000e+00> : vector<1000x384xf32>
    %dot_general3A_62 = tpu.matmul %add3A_46, %get3A_4, %dot_general3A_61 {dimension_numbers = #tpu.dot_dimension_numbers<[1], [1], [0], [0], [0, 0, 1, 0], [], []>, transpose_lhs_hint = false} : vector<1000x128xf32>, vector<384x128xf32>, vector<1000x384xf32> -> vector<1000x384xf32>
    %add3A_63 = vector.broadcast %get3A_10 : vector<1x384xf32> to vector<1000x384xf32>
    %add3A_64 = arith.addf %dot_general3A_62, %add3A_63 : vector<1000x384xf32>
    %slice3A_65 = vector.extract_strided_slice %add3A_60 {offsets = [0, 0], sizes = [1000, 128], strides = [1, 1]} : vector<1000x384xf32> to vector<1000x128xf32>
    %slice3A_66 = vector.extract_strided_slice %add3A_64 {offsets = [0, 0], sizes = [1000, 128], strides = [1, 1]} : vector<1000x384xf32> to vector<1000x128xf32>
    %add3A_67 = arith.addf %slice3A_65, %slice3A_66 : vector<1000x128xf32>
    %logistic3A_68 = arith.negf %add3A_67 : vector<1000x128xf32>
    %logistic3A_69 = math.exp %logistic3A_68 : vector<1000x128xf32>
    %logistic3A_70 = arith.constant 1.000000e+00 : f32
    %logistic3A_71 = vector.broadcast %logistic3A_70 : f32 to vector<1000x128xf32>
    %logistic3A_72 = arith.addf %logistic3A_71, %logistic3A_69 : vector<1000x128xf32>
    %logistic3A_73 = arith.divf %logistic3A_71, %logistic3A_72 : vector<1000x128xf32>
    %slice3A_74 = vector.extract_strided_slice %add3A_60 {offsets = [0, 128], sizes = [1000, 128], strides = [1, 1]} : vector<1000x384xf32> to vector<1000x128xf32>
    %slice3A_75 = vector.extract_strided_slice %add3A_64 {offsets = [0, 128], sizes = [1000, 128], strides = [1, 1]} : vector<1000x384xf32> to vector<1000x128xf32>
    %add3A_76 = arith.addf %slice3A_74, %slice3A_75 : vector<1000x128xf32>
    %logistic3A_77 = arith.negf %add3A_76 : vector<1000x128xf32>
    %logistic3A_78 = math.exp %logistic3A_77 : vector<1000x128xf32>
    %logistic3A_79 = arith.constant 1.000000e+00 : f32
    %logistic3A_80 = vector.broadcast %logistic3A_79 : f32 to vector<1000x128xf32>
    %logistic3A_81 = arith.addf %logistic3A_80, %logistic3A_78 : vector<1000x128xf32>
    %logistic3A_82 = arith.divf %logistic3A_80, %logistic3A_81 : vector<1000x128xf32>
    %slice3A_83 = vector.extract_strided_slice %add3A_60 {offsets = [0, 256], sizes = [1000, 128], strides = [1, 1]} : vector<1000x384xf32> to vector<1000x128xf32>
    %slice3A_84 = vector.extract_strided_slice %add3A_64 {offsets = [0, 256], sizes = [1000, 128], strides = [1, 1]} : vector<1000x384xf32> to vector<1000x128xf32>
    %mul3A_85 = arith.mulf %logistic3A_73, %slice3A_84 : vector<1000x128xf32>
    %add3A_86 = arith.addf %slice3A_83, %mul3A_85 : vector<1000x128xf32>
    %tanh3A_87 = math.tanh %add3A_86 : vector<1000x128xf32>
    %sub3A_88 = arith.constant 1.000000e+00 : f32
    %sub3A_89 = vector.broadcast %sub3A_88 : f32 to vector<1000x128xf32>
    %sub3A_90 = arith.subf %sub3A_89, %logistic3A_82 : vector<1000x128xf32>
    %mul3A_91 = arith.mulf %sub3A_90, %tanh3A_87 : vector<1000x128xf32>
    %mul3A_92 = arith.mulf %logistic3A_82, %add3A_46 : vector<1000x128xf32>
    %add3A_93 = arith.addf %mul3A_91, %mul3A_92 : vector<1000x128xf32>
    %swap3A_94 = arith.constant 0 : index
    %swap3A_95 = arith.constant 1 : index
    %swap3A_96 = arith.constant 0 : index
    %swap3A_97 = vector.load %arg6[%swap3A_94, %swap3A_95, %swap3A_96] : memref<1000x8x128xf32, #tpu.memory_space<vmem>>, vector<1000x1x128xf32>
    %swap3A_98 = vector.shape_cast %swap3A_97 : vector<1000x1x128xf32> to vector<1000x128xf32>
    %swap3A_99 = vector.shape_cast %add3A_93 : vector<1000x128xf32> to vector<1000x1x128xf32>
    tpu.vector_store %arg6[%swap3A_94, %swap3A_95, %swap3A_96], %swap3A_99 {strides = array<i32>} : memref<1000x8x128xf32, #tpu.memory_space<vmem>>, vector<1000x1x128xf32>,
    %get3A_100 = arith.constant 0 : index
    %get3A_101 = arith.constant 2 : index
    %get3A_102 = arith.constant 0 : index
    %get3A_103 = vector.load %arg1[%get3A_100, %get3A_101, %get3A_102] : memref<1000x8x128xf32, #tpu.memory_space<vmem>>, vector<1000x1x128xf32>
    %get3A_104 = vector.shape_cast %get3A_103 : vector<1000x1x128xf32> to vector<1000x128xf32>
    %dot_general3A_105 = arith.constant dense<0.000000e+00> : vector<1000x384xf32>
    %dot_general3A_106 = tpu.matmul %get3A_104, %get3A_1, %dot_general3A_105 {dimension_numbers = #tpu.dot_dimension_numbers<[1], [1], [0], [0], [0, 0, 1, 0], [], []>, transpose_lhs_hint = false} : vector<1000x128xf32>, vector<384x128xf32>, vector<1000x384xf32> -> vector<1000x384xf32>
    %add3A_107 = vector.broadcast %get3A_7 : vector<1x384xf32> to vector<1000x384xf32>
    %add3A_108 = arith.addf %dot_general3A_106, %add3A_107 : vector<1000x384xf32>
    %dot_general3A_109 = arith.constant dense<0.000000e+00> : vector<1000x384xf32>
    %dot_general3A_110 = tpu.matmul %add3A_93, %get3A_4, %dot_general3A_109 {dimension_numbers = #tpu.dot_dimension_numbers<[1], [1], [0], [0], [0, 0, 1, 0], [], []>, transpose_lhs_hint = false} : vector<1000x128xf32>, vector<384x128xf32>, vector<1000x384xf32> -> vector<1000x384xf32>
    %add3A_111 = vector.broadcast %get3A_10 : vector<1x384xf32> to vector<1000x384xf32>
    %add3A_112 = arith.addf %dot_general3A_110, %add3A_111 : vector<1000x384xf32>
    %slice3A_113 = vector.extract_strided_slice %add3A_108 {offsets = [0, 0], sizes = [1000, 128], strides = [1, 1]} : vector<1000x384xf32> to vector<1000x128xf32>
    %slice3A_114 = vector.extract_strided_slice %add3A_112 {offsets = [0, 0], sizes = [1000, 128], strides = [1, 1]} : vector<1000x384xf32> to vector<1000x128xf32>
    %add3A_115 = arith.addf %slice3A_113, %slice3A_114 : vector<1000x128xf32>
    %logistic3A_116 = arith.negf %add3A_115 : vector<1000x128xf32>
    %logistic3A_117 = math.exp %logistic3A_116 : vector<1000x128xf32>
    %logistic3A_118 = arith.constant 1.000000e+00 : f32
    %logistic3A_119 = vector.broadcast %logistic3A_118 : f32 to vector<1000x128xf32>
    %logistic3A_120 = arith.addf %logistic3A_119, %logistic3A_117 : vector<1000x128xf32>
    %logistic3A_121 = arith.divf %logistic3A_119, %logistic3A_120 : vector<1000x128xf32>
    %slice3A_122 = vector.extract_strided_slice %add3A_108 {offsets = [0, 128], sizes = [1000, 128], strides = [1, 1]} : vector<1000x384xf32> to vector<1000x128xf32>
    %slice3A_123 = vector.extract_strided_slice %add3A_112 {offsets = [0, 128], sizes = [1000, 128], strides = [1, 1]} : vector<1000x384xf32> to vector<1000x128xf32>
    %add3A_124 = arith.addf %slice3A_122, %slice3A_123 : vector<1000x128xf32>
    %logistic3A_125 = arith.negf %add3A_124 : vector<1000x128xf32>
    %logistic3A_126 = math.exp %logistic3A_125 : vector<1000x128xf32>
    %logistic3A_127 = arith.constant 1.000000e+00 : f32
    %logistic3A_128 = vector.broadcast %logistic3A_127 : f32 to vector<1000x128xf32>
    %logistic3A_129 = arith.addf %logistic3A_128, %logistic3A_126 : vector<1000x128xf32>
    %logistic3A_130 = arith.divf %logistic3A_128, %logistic3A_129 : vector<1000x128xf32>
    %slice3A_131 = vector.extract_strided_slice %add3A_108 {offsets = [0, 256], sizes = [1000, 128], strides = [1, 1]} : vector<1000x384xf32> to vector<1000x128xf32>
    %slice3A_132 = vector.extract_strided_slice %add3A_112 {offsets = [0, 256], sizes = [1000, 128], strides = [1, 1]} : vector<1000x384xf32> to vector<1000x128xf32>
    %mul3A_133 = arith.mulf %logistic3A_121, %slice3A_132 : vector<1000x128xf32>
    %add3A_134 = arith.addf %slice3A_131, %mul3A_133 : vector<1000x128xf32>
    %tanh3A_135 = math.tanh %add3A_134 : vector<1000x128xf32>
    %sub3A_136 = arith.constant 1.000000e+00 : f32
    %sub3A_137 = vector.broadcast %sub3A_136 : f32 to vector<1000x128xf32>
    %sub3A_138 = arith.subf %sub3A_137, %logistic3A_130 : vector<1000x128xf32>
    %mul3A_139 = arith.mulf %sub3A_138, %tanh3A_135 : vector<1000x128xf32>
    %mul3A_140 = arith.mulf %logistic3A_130, %add3A_93 : vector<1000x128xf32>
    %add3A_141 = arith.addf %mul3A_139, %mul3A_140 : vector<1000x128xf32>
    %swap3A_142 = arith.constant 0 : index
    %swap3A_143 = arith.constant 2 : index
    %swap3A_144 = arith.constant 0 : index
    %swap3A_145 = vector.load %arg6[%swap3A_142, %swap3A_143, %swap3A_144] : memref<1000x8x128xf32, #tpu.memory_space<vmem>>, vector<1000x1x128xf32>
    %swap3A_146 = vector.shape_cast %swap3A_145 : vector<1000x1x128xf32> to vector<1000x128xf32>
    %swap3A_147 = vector.shape_cast %add3A_141 : vector<1000x128xf32> to vector<1000x1x128xf32>
    tpu.vector_store %arg6[%swap3A_142, %swap3A_143, %swap3A_144], %swap3A_147 {strides = array<i32>} : memref<1000x8x128xf32, #tpu.memory_space<vmem>>, vector<1000x1x128xf32>,
    %get3A_148 = arith.constant 0 : index
    %get3A_149 = arith.constant 3 : index
    %get3A_150 = arith.constant 0 : index
    %get3A_151 = vector.load %arg1[%get3A_148, %get3A_149, %get3A_150] : memref<1000x8x128xf32, #tpu.memory_space<vmem>>, vector<1000x1x128xf32>
    %get3A_152 = vector.shape_cast %get3A_151 : vector<1000x1x128xf32> to vector<1000x128xf32>
    %dot_general3A_153 = arith.constant dense<0.000000e+00> : vector<1000x384xf32>
    %dot_general3A_154 = tpu.matmul %get3A_152, %get3A_1, %dot_general3A_153 {dimension_numbers = #tpu.dot_dimension_numbers<[1], [1], [0], [0], [0, 0, 1, 0], [], []>, transpose_lhs_hint = false} : vector<1000x128xf32>, vector<384x128xf32>, vector<1000x384xf32> -> vector<1000x384xf32>
    %add3A_155 = vector.broadcast %get3A_7 : vector<1x384xf32> to vector<1000x384xf32>
    %add3A_156 = arith.addf %dot_general3A_154, %add3A_155 : vector<1000x384xf32>
    %dot_general3A_157 = arith.constant dense<0.000000e+00> : vector<1000x384xf32>
    %dot_general3A_158 = tpu.matmul %add3A_141, %get3A_4, %dot_general3A_157 {dimension_numbers = #tpu.dot_dimension_numbers<[1], [1], [0], [0], [0, 0, 1, 0], [], []>, transpose_lhs_hint = false} : vector<1000x128xf32>, vector<384x128xf32>, vector<1000x384xf32> -> vector<1000x384xf32>
    %add3A_159 = vector.broadcast %get3A_10 : vector<1x384xf32> to vector<1000x384xf32>
    %add3A_160 = arith.addf %dot_general3A_158, %add3A_159 : vector<1000x384xf32>
    %slice3A_161 = vector.extract_strided_slice %add3A_156 {offsets = [0, 0], sizes = [1000, 128], strides = [1, 1]} : vector<1000x384xf32> to vector<1000x128xf32>
    %slice3A_162 = vector.extract_strided_slice %add3A_160 {offsets = [0, 0], sizes = [1000, 128], strides = [1, 1]} : vector<1000x384xf32> to vector<1000x128xf32>
    %add3A_163 = arith.addf %slice3A_161, %slice3A_162 : vector<1000x128xf32>
    %logistic3A_164 = arith.negf %add3A_163 : vector<1000x128xf32>
    %logistic3A_165 = math.exp %logistic3A_164 : vector<1000x128xf32>
    %logistic3A_166 = arith.constant 1.000000e+00 : f32
    %logistic3A_167 = vector.broadcast %logistic3A_166 : f32 to vector<1000x128xf32>
    %logistic3A_168 = arith.addf %logistic3A_167, %logistic3A_165 : vector<1000x128xf32>
    %logistic3A_169 = arith.divf %logistic3A_167, %logistic3A_168 : vector<1000x128xf32>
    %slice3A_170 = vector.extract_strided_slice %add3A_156 {offsets = [0, 128], sizes = [1000, 128], strides = [1, 1]} : vector<1000x384xf32> to vector<1000x128xf32>
    %slice3A_171 = vector.extract_strided_slice %add3A_160 {offsets = [0, 128], sizes = [1000, 128], strides = [1, 1]} : vector<1000x384xf32> to vector<1000x128xf32>
    %add3A_172 = arith.addf %slice3A_170, %slice3A_171 : vector<1000x128xf32>
    %logistic3A_173 = arith.negf %add3A_172 : vector<1000x128xf32>
    %logistic3A_174 = math.exp %logistic3A_173 : vector<1000x128xf32>
    %logistic3A_175 = arith.constant 1.000000e+00 : f32
    %logistic3A_176 = vector.broadcast %logistic3A_175 : f32 to vector<1000x128xf32>
    %logistic3A_177 = arith.addf %logistic3A_176, %logistic3A_174 : vector<1000x128xf32>
    %logistic3A_178 = arith.divf %logistic3A_176, %logistic3A_177 : vector<1000x128xf32>
    %slice3A_179 = vector.extract_strided_slice %add3A_156 {offsets = [0, 256], sizes = [1000, 128], strides = [1, 1]} : vector<1000x384xf32> to vector<1000x128xf32>
    %slice3A_180 = vector.extract_strided_slice %add3A_160 {offsets = [0, 256], sizes = [1000, 128], strides = [1, 1]} : vector<1000x384xf32> to vector<1000x128xf32>
    %mul3A_181 = arith.mulf %logistic3A_169, %slice3A_180 : vector<1000x128xf32>
    %add3A_182 = arith.addf %slice3A_179, %mul3A_181 : vector<1000x128xf32>
    %tanh3A_183 = math.tanh %add3A_182 : vector<1000x128xf32>
    %sub3A_184 = arith.constant 1.000000e+00 : f32
    %sub3A_185 = vector.broadcast %sub3A_184 : f32 to vector<1000x128xf32>
    %sub3A_186 = arith.subf %sub3A_185, %logistic3A_178 : vector<1000x128xf32>
    %mul3A_187 = arith.mulf %sub3A_186, %tanh3A_183 : vector<1000x128xf32>
    %mul3A_188 = arith.mulf %logistic3A_178, %add3A_141 : vector<1000x128xf32>
    %add3A_189 = arith.addf %mul3A_187, %mul3A_188 : vector<1000x128xf32>
    %swap3A_190 = arith.constant 0 : index
    %swap3A_191 = arith.constant 3 : index
    %swap3A_192 = arith.constant 0 : index
    %swap3A_193 = vector.load %arg6[%swap3A_190, %swap3A_191, %swap3A_192] : memref<1000x8x128xf32, #tpu.memory_space<vmem>>, vector<1000x1x128xf32>
    %swap3A_194 = vector.shape_cast %swap3A_193 : vector<1000x1x128xf32> to vector<1000x128xf32>
    %swap3A_195 = vector.shape_cast %add3A_189 : vector<1000x128xf32> to vector<1000x1x128xf32>
    tpu.vector_store %arg6[%swap3A_190, %swap3A_191, %swap3A_192], %swap3A_195 {strides = array<i32>} : memref<1000x8x128xf32, #tpu.memory_space<vmem>>, vector<1000x1x128xf32>,
    %get3A_196 = arith.constant 0 : index
    %get3A_197 = arith.constant 4 : index
    %get3A_198 = arith.constant 0 : index
    %get3A_199 = vector.load %arg1[%get3A_196, %get3A_197, %get3A_198] : memref<1000x8x128xf32, #tpu.memory_space<vmem>>, vector<1000x1x128xf32>
    %get3A_200 = vector.shape_cast %get3A_199 : vector<1000x1x128xf32> to vector<1000x128xf32>
    %dot_general3A_201 = arith.constant dense<0.000000e+00> : vector<1000x384xf32>
    %dot_general3A_202 = tpu.matmul %get3A_200, %get3A_1, %dot_general3A_201 {dimension_numbers = #tpu.dot_dimension_numbers<[1], [1], [0], [0], [0, 0, 1, 0], [], []>, transpose_lhs_hint = false} : vector<1000x128xf32>, vector<384x128xf32>, vector<1000x384xf32> -> vector<1000x384xf32>
    %add3A_203 = vector.broadcast %get3A_7 : vector<1x384xf32> to vector<1000x384xf32>
    %add3A_204 = arith.addf %dot_general3A_202, %add3A_203 : vector<1000x384xf32>
    %dot_general3A_205 = arith.constant dense<0.000000e+00> : vector<1000x384xf32>
    %dot_general3A_206 = tpu.matmul %add3A_189, %get3A_4, %dot_general3A_205 {dimension_numbers = #tpu.dot_dimension_numbers<[1], [1], [0], [0], [0, 0, 1, 0], [], []>, transpose_lhs_hint = false} : vector<1000x128xf32>, vector<384x128xf32>, vector<1000x384xf32> -> vector<1000x384xf32>
    %add3A_207 = vector.broadcast %get3A_10 : vector<1x384xf32> to vector<1000x384xf32>
    %add3A_208 = arith.addf %dot_general3A_206, %add3A_207 : vector<1000x384xf32>
    %slice3A_209 = vector.extract_strided_slice %add3A_204 {offsets = [0, 0], sizes = [1000, 128], strides = [1, 1]} : vector<1000x384xf32> to vector<1000x128xf32>
    %slice3A_210 = vector.extract_strided_slice %add3A_208 {offsets = [0, 0], sizes = [1000, 128], strides = [1, 1]} : vector<1000x384xf32> to vector<1000x128xf32>
    %add3A_211 = arith.addf %slice3A_209, %slice3A_210 : vector<1000x128xf32>
    %logistic3A_212 = arith.negf %add3A_211 : vector<1000x128xf32>
    %logistic3A_213 = math.exp %logistic3A_212 : vector<1000x128xf32>
    %logistic3A_214 = arith.constant 1.000000e+00 : f32
    %logistic3A_215 = vector.broadcast %logistic3A_214 : f32 to vector<1000x128xf32>
    %logistic3A_216 = arith.addf %logistic3A_215, %logistic3A_213 : vector<1000x128xf32>
    %logistic3A_217 = arith.divf %logistic3A_215, %logistic3A_216 : vector<1000x128xf32>
    %slice3A_218 = vector.extract_strided_slice %add3A_204 {offsets = [0, 128], sizes = [1000, 128], strides = [1, 1]} : vector<1000x384xf32> to vector<1000x128xf32>
    %slice3A_219 = vector.extract_strided_slice %add3A_208 {offsets = [0, 128], sizes = [1000, 128], strides = [1, 1]} : vector<1000x384xf32> to vector<1000x128xf32>
    %add3A_220 = arith.addf %slice3A_218, %slice3A_219 : vector<1000x128xf32>
    %logistic3A_221 = arith.negf %add3A_220 : vector<1000x128xf32>
    %logistic3A_222 = math.exp %logistic3A_221 : vector<1000x128xf32>
    %logistic3A_223 = arith.constant 1.000000e+00 : f32
    %logistic3A_224 = vector.broadcast %logistic3A_223 : f32 to vector<1000x128xf32>
    %logistic3A_225 = arith.addf %logistic3A_224, %logistic3A_222 : vector<1000x128xf32>
    %logistic3A_226 = arith.divf %logistic3A_224, %logistic3A_225 : vector<1000x128xf32>
    %slice3A_227 = vector.extract_strided_slice %add3A_204 {offsets = [0, 256], sizes = [1000, 128], strides = [1, 1]} : vector<1000x384xf32> to vector<1000x128xf32>
    %slice3A_228 = vector.extract_strided_slice %add3A_208 {offsets = [0, 256], sizes = [1000, 128], strides = [1, 1]} : vector<1000x384xf32> to vector<1000x128xf32>
    %mul3A_229 = arith.mulf %logistic3A_217, %slice3A_228 : vector<1000x128xf32>
    %add3A_230 = arith.addf %slice3A_227, %mul3A_229 : vector<1000x128xf32>
    %tanh3A_231 = math.tanh %add3A_230 : vector<1000x128xf32>
    %sub3A_232 = arith.constant 1.000000e+00 : f32
    %sub3A_233 = vector.broadcast %sub3A_232 : f32 to vector<1000x128xf32>
    %sub3A_234 = arith.subf %sub3A_233, %logistic3A_226 : vector<1000x128xf32>
    %mul3A_235 = arith.mulf %sub3A_234, %tanh3A_231 : vector<1000x128xf32>
    %mul3A_236 = arith.mulf %logistic3A_226, %add3A_189 : vector<1000x128xf32>
    %add3A_237 = arith.addf %mul3A_235, %mul3A_236 : vector<1000x128xf32>
    %swap3A_238 = arith.constant 0 : index
    %swap3A_239 = arith.constant 4 : index
    %swap3A_240 = arith.constant 0 : index
    %swap3A_241 = vector.load %arg6[%swap3A_238, %swap3A_239, %swap3A_240] : memref<1000x8x128xf32, #tpu.memory_space<vmem>>, vector<1000x1x128xf32>
    %swap3A_242 = vector.shape_cast %swap3A_241 : vector<1000x1x128xf32> to vector<1000x128xf32>
    %swap3A_243 = vector.shape_cast %add3A_237 : vector<1000x128xf32> to vector<1000x1x128xf32>
    tpu.vector_store %arg6[%swap3A_238, %swap3A_239, %swap3A_240], %swap3A_243 {strides = array<i32>} : memref<1000x8x128xf32, #tpu.memory_space<vmem>>, vector<1000x1x128xf32>,
    %get3A_244 = arith.constant 0 : index
    %get3A_245 = arith.constant 5 : index
    %get3A_246 = arith.constant 0 : index
    %get3A_247 = vector.load %arg1[%get3A_244, %get3A_245, %get3A_246] : memref<1000x8x128xf32, #tpu.memory_space<vmem>>, vector<1000x1x128xf32>
    %get3A_248 = vector.shape_cast %get3A_247 : vector<1000x1x128xf32> to vector<1000x128xf32>
    %dot_general3A_249 = arith.constant dense<0.000000e+00> : vector<1000x384xf32>
    %dot_general3A_250 = tpu.matmul %get3A_248, %get3A_1, %dot_general3A_249 {dimension_numbers = #tpu.dot_dimension_numbers<[1], [1], [0], [0], [0, 0, 1, 0], [], []>, transpose_lhs_hint = false} : vector<1000x128xf32>, vector<384x128xf32>, vector<1000x384xf32> -> vector<1000x384xf32>
    %add3A_251 = vector.broadcast %get3A_7 : vector<1x384xf32> to vector<1000x384xf32>
    %add3A_252 = arith.addf %dot_general3A_250, %add3A_251 : vector<1000x384xf32>
    %dot_general3A_253 = arith.constant dense<0.000000e+00> : vector<1000x384xf32>
    %dot_general3A_254 = tpu.matmul %add3A_237, %get3A_4, %dot_general3A_253 {dimension_numbers = #tpu.dot_dimension_numbers<[1], [1], [0], [0], [0, 0, 1, 0], [], []>, transpose_lhs_hint = false} : vector<1000x128xf32>, vector<384x128xf32>, vector<1000x384xf32> -> vector<1000x384xf32>
    %add3A_255 = vector.broadcast %get3A_10 : vector<1x384xf32> to vector<1000x384xf32>
    %add3A_256 = arith.addf %dot_general3A_254, %add3A_255 : vector<1000x384xf32>
    %slice3A_257 = vector.extract_strided_slice %add3A_252 {offsets = [0, 0], sizes = [1000, 128], strides = [1, 1]} : vector<1000x384xf32> to vector<1000x128xf32>
    %slice3A_258 = vector.extract_strided_slice %add3A_256 {offsets = [0, 0], sizes = [1000, 128], strides = [1, 1]} : vector<1000x384xf32> to vector<1000x128xf32>
    %add3A_259 = arith.addf %slice3A_257, %slice3A_258 : vector<1000x128xf32>
    %logistic3A_260 = arith.negf %add3A_259 : vector<1000x128xf32>
    %logistic3A_261 = math.exp %logistic3A_260 : vector<1000x128xf32>
    %logistic3A_262 = arith.constant 1.000000e+00 : f32
    %logistic3A_263 = vector.broadcast %logistic3A_262 : f32 to vector<1000x128xf32>
    %logistic3A_264 = arith.addf %logistic3A_263, %logistic3A_261 : vector<1000x128xf32>
    %logistic3A_265 = arith.divf %logistic3A_263, %logistic3A_264 : vector<1000x128xf32>
    %slice3A_266 = vector.extract_strided_slice %add3A_252 {offsets = [0, 128], sizes = [1000, 128], strides = [1, 1]} : vector<1000x384xf32> to vector<1000x128xf32>
    %slice3A_267 = vector.extract_strided_slice %add3A_256 {offsets = [0, 128], sizes = [1000, 128], strides = [1, 1]} : vector<1000x384xf32> to vector<1000x128xf32>
    %add3A_268 = arith.addf %slice3A_266, %slice3A_267 : vector<1000x128xf32>
    %logistic3A_269 = arith.negf %add3A_268 : vector<1000x128xf32>
    %logistic3A_270 = math.exp %logistic3A_269 : vector<1000x128xf32>
    %logistic3A_271 = arith.constant 1.000000e+00 : f32
    %logistic3A_272 = vector.broadcast %logistic3A_271 : f32 to vector<1000x128xf32>
    %logistic3A_273 = arith.addf %logistic3A_272, %logistic3A_270 : vector<1000x128xf32>
    %logistic3A_274 = arith.divf %logistic3A_272, %logistic3A_273 : vector<1000x128xf32>
    %slice3A_275 = vector.extract_strided_slice %add3A_252 {offsets = [0, 256], sizes = [1000, 128], strides = [1, 1]} : vector<1000x384xf32> to vector<1000x128xf32>
    %slice3A_276 = vector.extract_strided_slice %add3A_256 {offsets = [0, 256], sizes = [1000, 128], strides = [1, 1]} : vector<1000x384xf32> to vector<1000x128xf32>
    %mul3A_277 = arith.mulf %logistic3A_265, %slice3A_276 : vector<1000x128xf32>
    %add3A_278 = arith.addf %slice3A_275, %mul3A_277 : vector<1000x128xf32>
    %tanh3A_279 = math.tanh %add3A_278 : vector<1000x128xf32>
    %sub3A_280 = arith.constant 1.000000e+00 : f32
    %sub3A_281 = vector.broadcast %sub3A_280 : f32 to vector<1000x128xf32>
    %sub3A_282 = arith.subf %sub3A_281, %logistic3A_274 : vector<1000x128xf32>
    %mul3A_283 = arith.mulf %sub3A_282, %tanh3A_279 : vector<1000x128xf32>
    %mul3A_284 = arith.mulf %logistic3A_274, %add3A_237 : vector<1000x128xf32>
    %add3A_285 = arith.addf %mul3A_283, %mul3A_284 : vector<1000x128xf32>
    %swap3A_286 = arith.constant 0 : index
    %swap3A_287 = arith.constant 5 : index
    %swap3A_288 = arith.constant 0 : index
    %swap3A_289 = vector.load %arg6[%swap3A_286, %swap3A_287, %swap3A_288] : memref<1000x8x128xf32, #tpu.memory_space<vmem>>, vector<1000x1x128xf32>
    %swap3A_290 = vector.shape_cast %swap3A_289 : vector<1000x1x128xf32> to vector<1000x128xf32>
    %swap3A_291 = vector.shape_cast %add3A_285 : vector<1000x128xf32> to vector<1000x1x128xf32>
    tpu.vector_store %arg6[%swap3A_286, %swap3A_287, %swap3A_288], %swap3A_291 {strides = array<i32>} : memref<1000x8x128xf32, #tpu.memory_space<vmem>>, vector<1000x1x128xf32>,
    %get3A_292 = arith.constant 0 : index
    %get3A_293 = arith.constant 6 : index
    %get3A_294 = arith.constant 0 : index
    %get3A_295 = vector.load %arg1[%get3A_292, %get3A_293, %get3A_294] : memref<1000x8x128xf32, #tpu.memory_space<vmem>>, vector<1000x1x128xf32>
    %get3A_296 = vector.shape_cast %get3A_295 : vector<1000x1x128xf32> to vector<1000x128xf32>
    %dot_general3A_297 = arith.constant dense<0.000000e+00> : vector<1000x384xf32>
    %dot_general3A_298 = tpu.matmul %get3A_296, %get3A_1, %dot_general3A_297 {dimension_numbers = #tpu.dot_dimension_numbers<[1], [1], [0], [0], [0, 0, 1, 0], [], []>, transpose_lhs_hint = false} : vector<1000x128xf32>, vector<384x128xf32>, vector<1000x384xf32> -> vector<1000x384xf32>
    %add3A_299 = vector.broadcast %get3A_7 : vector<1x384xf32> to vector<1000x384xf32>
    %add3A_300 = arith.addf %dot_general3A_298, %add3A_299 : vector<1000x384xf32>
    %dot_general3A_301 = arith.constant dense<0.000000e+00> : vector<1000x384xf32>
    %dot_general3A_302 = tpu.matmul %add3A_285, %get3A_4, %dot_general3A_301 {dimension_numbers = #tpu.dot_dimension_numbers<[1], [1], [0], [0], [0, 0, 1, 0], [], []>, transpose_lhs_hint = false} : vector<1000x128xf32>, vector<384x128xf32>, vector<1000x384xf32> -> vector<1000x384xf32>
    %add3A_303 = vector.broadcast %get3A_10 : vector<1x384xf32> to vector<1000x384xf32>
    %add3A_304 = arith.addf %dot_general3A_302, %add3A_303 : vector<1000x384xf32>
    %slice3A_305 = vector.extract_strided_slice %add3A_300 {offsets = [0, 0], sizes = [1000, 128], strides = [1, 1]} : vector<1000x384xf32> to vector<1000x128xf32>
    %slice3A_306 = vector.extract_strided_slice %add3A_304 {offsets = [0, 0], sizes = [1000, 128], strides = [1, 1]} : vector<1000x384xf32> to vector<1000x128xf32>
    %add3A_307 = arith.addf %slice3A_305, %slice3A_306 : vector<1000x128xf32>
    %logistic3A_308 = arith.negf %add3A_307 : vector<1000x128xf32>
    %logistic3A_309 = math.exp %logistic3A_308 : vector<1000x128xf32>
    %logistic3A_310 = arith.constant 1.000000e+00 : f32
    %logistic3A_311 = vector.broadcast %logistic3A_310 : f32 to vector<1000x128xf32>
    %logistic3A_312 = arith.addf %logistic3A_311, %logistic3A_309 : vector<1000x128xf32>
    %logistic3A_313 = arith.divf %logistic3A_311, %logistic3A_312 : vector<1000x128xf32>
    %slice3A_314 = vector.extract_strided_slice %add3A_300 {offsets = [0, 128], sizes = [1000, 128], strides = [1, 1]} : vector<1000x384xf32> to vector<1000x128xf32>
    %slice3A_315 = vector.extract_strided_slice %add3A_304 {offsets = [0, 128], sizes = [1000, 128], strides = [1, 1]} : vector<1000x384xf32> to vector<1000x128xf32>
    %add3A_316 = arith.addf %slice3A_314, %slice3A_315 : vector<1000x128xf32>
    %logistic3A_317 = arith.negf %add3A_316 : vector<1000x128xf32>
    %logistic3A_318 = math.exp %logistic3A_317 : vector<1000x128xf32>
    %logistic3A_319 = arith.constant 1.000000e+00 : f32
    %logistic3A_320 = vector.broadcast %logistic3A_319 : f32 to vector<1000x128xf32>
    %logistic3A_321 = arith.addf %logistic3A_320, %logistic3A_318 : vector<1000x128xf32>
    %logistic3A_322 = arith.divf %logistic3A_320, %logistic3A_321 : vector<1000x128xf32>
    %slice3A_323 = vector.extract_strided_slice %add3A_300 {offsets = [0, 256], sizes = [1000, 128], strides = [1, 1]} : vector<1000x384xf32> to vector<1000x128xf32>
    %slice3A_324 = vector.extract_strided_slice %add3A_304 {offsets = [0, 256], sizes = [1000, 128], strides = [1, 1]} : vector<1000x384xf32> to vector<1000x128xf32>
    %mul3A_325 = arith.mulf %logistic3A_313, %slice3A_324 : vector<1000x128xf32>
    %add3A_326 = arith.addf %slice3A_323, %mul3A_325 : vector<1000x128xf32>
    %tanh3A_327 = math.tanh %add3A_326 : vector<1000x128xf32>
    %sub3A_328 = arith.constant 1.000000e+00 : f32
    %sub3A_329 = vector.broadcast %sub3A_328 : f32 to vector<1000x128xf32>
    %sub3A_330 = arith.subf %sub3A_329, %logistic3A_322 : vector<1000x128xf32>
    %mul3A_331 = arith.mulf %sub3A_330, %tanh3A_327 : vector<1000x128xf32>
    %mul3A_332 = arith.mulf %logistic3A_322, %add3A_285 : vector<1000x128xf32>
    %add3A_333 = arith.addf %mul3A_331, %mul3A_332 : vector<1000x128xf32>
    %swap3A_334 = arith.constant 0 : index
    %swap3A_335 = arith.constant 6 : index
    %swap3A_336 = arith.constant 0 : index
    %swap3A_337 = vector.load %arg6[%swap3A_334, %swap3A_335, %swap3A_336] : memref<1000x8x128xf32, #tpu.memory_space<vmem>>, vector<1000x1x128xf32>
    %swap3A_338 = vector.shape_cast %swap3A_337 : vector<1000x1x128xf32> to vector<1000x128xf32>
    %swap3A_339 = vector.shape_cast %add3A_333 : vector<1000x128xf32> to vector<1000x1x128xf32>
    tpu.vector_store %arg6[%swap3A_334, %swap3A_335, %swap3A_336], %swap3A_339 {strides = array<i32>} : memref<1000x8x128xf32, #tpu.memory_space<vmem>>, vector<1000x1x128xf32>,
    %get3A_340 = arith.constant 0 : index
    %get3A_341 = arith.constant 7 : index
    %get3A_342 = arith.constant 0 : index
    %get3A_343 = vector.load %arg1[%get3A_340, %get3A_341, %get3A_342] : memref<1000x8x128xf32, #tpu.memory_space<vmem>>, vector<1000x1x128xf32>
    %get3A_344 = vector.shape_cast %get3A_343 : vector<1000x1x128xf32> to vector<1000x128xf32>
    %dot_general3A_345 = arith.constant dense<0.000000e+00> : vector<1000x384xf32>
    %dot_general3A_346 = tpu.matmul %get3A_344, %get3A_1, %dot_general3A_345 {dimension_numbers = #tpu.dot_dimension_numbers<[1], [1], [0], [0], [0, 0, 1, 0], [], []>, transpose_lhs_hint = false} : vector<1000x128xf32>, vector<384x128xf32>, vector<1000x384xf32> -> vector<1000x384xf32>
    %add3A_347 = vector.broadcast %get3A_7 : vector<1x384xf32> to vector<1000x384xf32>
    %add3A_348 = arith.addf %dot_general3A_346, %add3A_347 : vector<1000x384xf32>
    %dot_general3A_349 = arith.constant dense<0.000000e+00> : vector<1000x384xf32>
    %dot_general3A_350 = tpu.matmul %add3A_333, %get3A_4, %dot_general3A_349 {dimension_numbers = #tpu.dot_dimension_numbers<[1], [1], [0], [0], [0, 0, 1, 0], [], []>, transpose_lhs_hint = false} : vector<1000x128xf32>, vector<384x128xf32>, vector<1000x384xf32> -> vector<1000x384xf32>
    %add3A_351 = vector.broadcast %get3A_10 : vector<1x384xf32> to vector<1000x384xf32>
    %add3A_352 = arith.addf %dot_general3A_350, %add3A_351 : vector<1000x384xf32>
    %slice3A_353 = vector.extract_strided_slice %add3A_348 {offsets = [0, 0], sizes = [1000, 128], strides = [1, 1]} : vector<1000x384xf32> to vector<1000x128xf32>
    %slice3A_354 = vector.extract_strided_slice %add3A_352 {offsets = [0, 0], sizes = [1000, 128], strides = [1, 1]} : vector<1000x384xf32> to vector<1000x128xf32>
    %add3A_355 = arith.addf %slice3A_353, %slice3A_354 : vector<1000x128xf32>
    %logistic3A_356 = arith.negf %add3A_355 : vector<1000x128xf32>
    %logistic3A_357 = math.exp %logistic3A_356 : vector<1000x128xf32>
    %logistic3A_358 = arith.constant 1.000000e+00 : f32
    %logistic3A_359 = vector.broadcast %logistic3A_358 : f32 to vector<1000x128xf32>
    %logistic3A_360 = arith.addf %logistic3A_359, %logistic3A_357 : vector<1000x128xf32>
    %logistic3A_361 = arith.divf %logistic3A_359, %logistic3A_360 : vector<1000x128xf32>
    %slice3A_362 = vector.extract_strided_slice %add3A_348 {offsets = [0, 128], sizes = [1000, 128], strides = [1, 1]} : vector<1000x384xf32> to vector<1000x128xf32>
    %slice3A_363 = vector.extract_strided_slice %add3A_352 {offsets = [0, 128], sizes = [1000, 128], strides = [1, 1]} : vector<1000x384xf32> to vector<1000x128xf32>
    %add3A_364 = arith.addf %slice3A_362, %slice3A_363 : vector<1000x128xf32>
    %logistic3A_365 = arith.negf %add3A_364 : vector<1000x128xf32>
    %logistic3A_366 = math.exp %logistic3A_365 : vector<1000x128xf32>
    %logistic3A_367 = arith.constant 1.000000e+00 : f32
    %logistic3A_368 = vector.broadcast %logistic3A_367 : f32 to vector<1000x128xf32>
    %logistic3A_369 = arith.addf %logistic3A_368, %logistic3A_366 : vector<1000x128xf32>
    %logistic3A_370 = arith.divf %logistic3A_368, %logistic3A_369 : vector<1000x128xf32>
    %slice3A_371 = vector.extract_strided_slice %add3A_348 {offsets = [0, 256], sizes = [1000, 128], strides = [1, 1]} : vector<1000x384xf32> to vector<1000x128xf32>
    %slice3A_372 = vector.extract_strided_slice %add3A_352 {offsets = [0, 256], sizes = [1000, 128], strides = [1, 1]} : vector<1000x384xf32> to vector<1000x128xf32>
    %mul3A_373 = arith.mulf %logistic3A_361, %slice3A_372 : vector<1000x128xf32>
    %add3A_374 = arith.addf %slice3A_371, %mul3A_373 : vector<1000x128xf32>
    %tanh3A_375 = math.tanh %add3A_374 : vector<1000x128xf32>
    %sub3A_376 = arith.constant 1.000000e+00 : f32
    %sub3A_377 = vector.broadcast %sub3A_376 : f32 to vector<1000x128xf32>
    %sub3A_378 = arith.subf %sub3A_377, %logistic3A_370 : vector<1000x128xf32>
    %mul3A_379 = arith.mulf %sub3A_378, %tanh3A_375 : vector<1000x128xf32>
    %mul3A_380 = arith.mulf %logistic3A_370, %add3A_333 : vector<1000x128xf32>
    %add3A_381 = arith.addf %mul3A_379, %mul3A_380 : vector<1000x128xf32>
    %swap3A_382 = arith.constant 0 : index
    %swap3A_383 = arith.constant 7 : index
    %swap3A_384 = arith.constant 0 : index
    %swap3A_385 = vector.load %arg6[%swap3A_382, %swap3A_383, %swap3A_384] : memref<1000x8x128xf32, #tpu.memory_space<vmem>>, vector<1000x1x128xf32>
    %swap3A_386 = vector.shape_cast %swap3A_385 : vector<1000x1x128xf32> to vector<1000x128xf32>
    %swap3A_387 = vector.shape_cast %add3A_381 : vector<1000x128xf32> to vector<1000x1x128xf32>
    tpu.vector_store %arg6[%swap3A_382, %swap3A_383, %swap3A_384], %swap3A_387 {strides = array<i32>} : memref<1000x8x128xf32, #tpu.memory_space<vmem>>, vector<1000x1x128xf32>,
    %swap3A_388 = arith.constant 0 : index
    %swap3A_389 = arith.constant 0 : index
    %swap3A_390 = vector.load %arg7[%swap3A_388, %swap3A_389] : memref<1000x128xf32, #tpu.memory_space<vmem>>, vector<1000x128xf32>
    tpu.vector_store %arg7[%swap3A_388, %swap3A_389], %add3A_381 {strides = array<i32>} : memref<1000x128xf32, #tpu.memory_space<vmem>>, vector<1000x128xf32>,
    return
  }
  func.func @transform_0(%arg0: i32) -> (i32, i32, i32) {
    %c0_i32 = arith.constant 0 : i32
    %c0_i32_0 = arith.constant 0 : i32
    %c0_i32_1 = arith.constant 0 : i32
    return %arg0, %c0_i32, %c0_i32_0 : i32, i32, i32
  }
  func.func @transform_1(%arg0: i32) -> (i32, i32) {
    %c0_i32 = arith.constant 0 : i32
    %c0_i32_0 = arith.constant 0 : i32
    %c0_i32_1 = arith.constant 0 : i32
    return %c0_i32, %c0_i32_0 : i32, i32
  }
  func.func @transform_2(%arg0: i32) -> (i32, i32) {
    %c0_i32 = arith.constant 0 : i32
    %c0_i32_0 = arith.constant 0 : i32
    %c0_i32_1 = arith.constant 0 : i32
    return %c0_i32, %c0_i32_0 : i32, i32
  }
  func.func @transform_3(%arg0: i32) -> (i32, i32) {
    %c0_i32 = arith.constant 0 : i32
    %c0_i32_0 = arith.constant 0 : i32
    %c0_i32_1 = arith.constant 0 : i32
    return %c0_i32, %c0_i32_0 : i32, i32
  }
  func.func @transform_4(%arg0: i32) -> (i32, i32) {
    %c0_i32 = arith.constant 0 : i32
    %c0_i32_0 = arith.constant 0 : i32
    %c0_i32_1 = arith.constant 0 : i32
    return %c0_i32, %c0_i32_0 : i32, i32
  }
  func.func @transform_5(%arg0: i32) -> (i32, i32, i32) {
    %c0_i32 = arith.constant 0 : i32
    %c0_i32_0 = arith.constant 0 : i32
    %c0_i32_1 = arith.constant 0 : i32
    return %arg0, %c0_i32, %c0_i32_0 : i32, i32, i32
  }
  func.func @transform_6(%arg0: i32) -> (i32, i32) {
    %c0_i32 = arith.constant 0 : i32
    %c0_i32_0 = arith.constant 0 : i32
    return %arg0, %c0_i32 : i32, i32
  }
}

module attributes {stable_mosaic.version = 14 : i64} {
  func.func @_agg_body(%arg0: i32, %arg1: i32, %arg2: memref<10x10xi32, #tpu.memory_space<smem>>, %arg3: memref<10xi32, #tpu.memory_space<smem>>, %arg4: memref<1024x2xf32, #tpu.memory_space<vmem>>, %arg5: memref<2x1024xf32, #tpu.memory_space<vmem>>, %arg6: memref<1024x128xbf16, #tpu.memory_space<vmem>>, %arg7: memref<1024x128xf32, #tpu.memory_space<vmem>>, %arg8: memref<1024x1024xf32, #tpu.memory_space<vmem>>, %arg9: memref<128x256xf32, #tpu.memory_space<vmem>>, %arg10: memref<1x128xf32, #tpu.memory_space<vmem>>, %arg11: memref<2x128xf32, #tpu.memory_space<vmem>>, %arg12: memref<1x2xf32, #tpu.memory_space<vmem>>, %arg13: memref<1024x128xf32, #tpu.memory_space<vmem>>, %arg14: memref<1024x2xf32, #tpu.memory_space<vmem>>, %arg15: memref<1024x128xf32, #tpu.memory_space<vmem>>, %arg16: memref<1024x1xf32, #tpu.memory_space<vmem>>) attributes {dimension_semantics = [#tpu.dimension_semantics<arbitrary>, #tpu.dimension_semantics<arbitrary>], iteration_bounds = array<i64: 10, 10>, scalar_prefetch = 2 : i64, scratch_operands = 2 : i64, tpu.core_type = #tpu.core_type<tc>, window_params = [{transform_indices = @transform_0, window_bounds = array<i64: 1024, 2>}, {transform_indices = @transform_1, window_bounds = array<i64: 2, 1024>}, {transform_indices = @transform_2, window_bounds = array<i64: 1024, 128>}, {transform_indices = @transform_3, window_bounds = array<i64: 1024, 128>}, {pipeline_mode = #tpu.pipeline_mode<synchronous>, transform_indices = @transform_4, window_bounds = array<i64: 1024, 1024>}, {pipeline_mode = #tpu.pipeline_mode<synchronous>, transform_indices = @transform_5, window_bounds = array<i64: 128, 256>}, {pipeline_mode = #tpu.pipeline_mode<synchronous>, transform_indices = @transform_6, window_bounds = array<i64: 1, 128>}, {pipeline_mode = #tpu.pipeline_mode<synchronous>, transform_indices = @transform_7, window_bounds = array<i64: 2, 128>}, {pipeline_mode = #tpu.pipeline_mode<synchronous>, transform_indices = @transform_8, window_bounds = array<i64: 1, 2>}, {transform_indices = @transform_9, window_bounds = array<i64: 1024, 128>}, {transform_indices = @transform_10, window_bounds = array<i64: 1024, 2>}]} {
    %eq3A = arith.constant 0 : i32
    %eq3A_0 = arith.cmpi eq, %arg1, %eq3A : i32
    %convert_element_type3A = arith.extui %eq3A_0 : i1 to i32
    %cond3A = arith.constant 0 : i32
    %cond3A_1 = arith.cmpi ne, %convert_element_type3A, %cond3A : i32
    scf.if %cond3A_1 {
      %broadcast_in_dim3A = arith.constant 0.000000e+00 : f32
      %broadcast_in_dim3A_11 = vector.broadcast %broadcast_in_dim3A : f32 to vector<1024x128xf32>
      %swap3A = arith.constant 0 : index
      %swap3A_12 = arith.constant 0 : index
      %swap3A_13 = vector.load %arg15[%swap3A, %swap3A_12] : memref<1024x128xf32, #tpu.memory_space<vmem>>, vector<1024x128xf32>
      tpu.vector_store %arg15[%swap3A, %swap3A_12], %broadcast_in_dim3A_11 {strides = array<i32>} : memref<1024x128xf32, #tpu.memory_space<vmem>>, vector<1024x128xf32>,
      %broadcast_in_dim3A_14 = arith.constant 0.000000e+00 : f32
      %broadcast_in_dim3A_15 = vector.broadcast %broadcast_in_dim3A_14 : f32 to vector<1024x1xf32>
      %swap3A_16 = arith.constant 0 : index
      %swap3A_17 = arith.constant 0 : index
      %swap3A_18 = vector.load %arg16[%swap3A_16, %swap3A_17] : memref<1024x1xf32, #tpu.memory_space<vmem>>, vector<1024x1xf32>
      tpu.vector_store %arg16[%swap3A_16, %swap3A_17], %broadcast_in_dim3A_15 {strides = array<i32>} : memref<1024x1xf32, #tpu.memory_space<vmem>>, vector<1024x1xf32>,
    } else {
    }
    %get3A = arith.index_cast %arg0 : i32 to index
    %get3A_2 = memref.load %arg3[%get3A] : memref<10xi32, #tpu.memory_space<smem>>
    %lt3A = arith.cmpi slt, %arg1, %get3A_2 : i32
    %convert_element_type3A_3 = arith.extui %lt3A : i1 to i32
    %cond3A_4 = arith.constant 0 : i32
    %cond3A_5 = arith.cmpi ne, %convert_element_type3A_3, %cond3A_4 : i32
    scf.if %cond3A_5 {
      %get3A_11 = arith.index_cast %arg0 : i32 to index
      %get3A_12 = arith.index_cast %arg1 : i32 to index
      %get3A_13 = memref.load %arg2[%get3A_11, %get3A_12] : memref<10x10xi32, #tpu.memory_space<smem>>
      %get3A_14 = arith.constant 0 : index
      %get3A_15 = arith.constant 0 : index
      %get3A_16 = vector.load %arg4[%get3A_14, %get3A_15] : memref<1024x2xf32, #tpu.memory_space<vmem>>, vector<1024x2xf32>
      %get3A_17 = arith.constant 0 : index
      %get3A_18 = arith.constant 0 : index
      %get3A_19 = vector.load %arg5[%get3A_17, %get3A_18] : memref<2x1024xf32, #tpu.memory_space<vmem>>, vector<2x1024xf32>
      %mul3A = arith.mulf %get3A_16, %get3A_16 : vector<1024x2xf32>
      %reduce_sum3A = arith.constant dense<0.000000e+00> : vector<1024xf32>
      %reduce_sum3A_20 = vector.multi_reduction <add>, %mul3A, %reduce_sum3A [1] : vector<1024x2xf32> to vector<1024xf32>
      %broadcast_in_dim3A = vector.shape_cast %reduce_sum3A_20 : vector<1024xf32> to vector<1024x1xf32>
      %mul3A_21 = arith.mulf %get3A_19, %get3A_19 : vector<2x1024xf32>
      %reduce_sum3A_22 = arith.constant dense<0.000000e+00> : vector<1024xf32>
      %reduce_sum3A_23 = vector.multi_reduction <add>, %mul3A_21, %reduce_sum3A_22 [0] : vector<2x1024xf32> to vector<1024xf32>
      %broadcast_in_dim3A_24 = vector.shape_cast %reduce_sum3A_23 : vector<1024xf32> to vector<1x1024xf32>
      %convert_element_type3A_25 = arith.truncf %get3A_16 : vector<1024x2xf32> to vector<1024x2xbf16>
      %convert_element_type3A_26 = arith.truncf %get3A_19 : vector<2x1024xf32> to vector<2x1024xbf16>
      %dot_general3A = arith.constant dense<0.000000e+00> : vector<1024x1024xf32>
      %dot_general3A_27 = tpu.matmul %convert_element_type3A_25, %convert_element_type3A_26, %dot_general3A {dimension_numbers = #tpu.dot_dimension_numbers<[1], [0], [0], [1], [0, 0, 1, 1], [], []>, transpose_lhs_hint = false} : vector<1024x2xbf16>, vector<2x1024xbf16>, vector<1024x1024xf32> -> vector<1024x1024xf32>
      %add3A = vector.broadcast %broadcast_in_dim3A : vector<1024x1xf32> to vector<1024x1024xf32>
      %add3A_28 = vector.broadcast %broadcast_in_dim3A_24 : vector<1x1024xf32> to vector<1024x1024xf32>
      %add3A_29 = arith.addf %add3A, %add3A_28 : vector<1024x1024xf32>
      %mul3A_30 = arith.constant 2.000000e+00 : f32
      %mul3A_31 = vector.broadcast %mul3A_30 : f32 to vector<1024x1024xf32>
      %mul3A_32 = arith.mulf %mul3A_31, %dot_general3A_27 : vector<1024x1024xf32>
      %sub3A = arith.subf %add3A_29, %mul3A_32 : vector<1024x1024xf32>
      %eq3A_33 = arith.cmpi eq, %get3A_13, %arg0 : i32
      %jit3A = arith.constant 1.000000e+09 : f32
      %jit3A_34 = arith.constant 0.000000e+00 : f32
      %select_n3A = arith.select %eq3A_33, %jit3A, %jit3A_34 : f32
      %get3A_35 = arith.constant 0 : index
      %get3A_36 = arith.constant 0 : index
      %get3A_37 = vector.load %arg8[%get3A_35, %get3A_36] : memref<1024x1024xf32, #tpu.memory_space<vmem>>, vector<1024x1024xf32>
      %mul3A_38 = vector.broadcast %select_n3A : f32 to vector<1024x1024xf32>
      %mul3A_39 = arith.mulf %get3A_37, %mul3A_38 : vector<1024x1024xf32>
      %add3A_40 = arith.addf %sub3A, %mul3A_39 : vector<1024x1024xf32>
      %le3A = arith.constant 1.000000e+00 : f32
      %le3A_41 = vector.broadcast %le3A : f32 to vector<1024x1024xf32>
      %le3A_42 = arith.cmpf ole, %add3A_40, %le3A_41 : vector<1024x1024xf32>
      %jit3A_43 = arith.constant 1.000000e+00 : f32
      %jit3A_44 = arith.constant 0.000000e+00 : f32
      %broadcast_in_dim3A_45 = vector.broadcast %jit3A_43 : f32 to vector<1024x1024xf32>
      %broadcast_in_dim3A_46 = vector.broadcast %jit3A_44 : f32 to vector<1024x1024xf32>
      %select_n3A_47 = arith.select %le3A_42, %broadcast_in_dim3A_45, %broadcast_in_dim3A_46 : vector<1024x1024xi1>, vector<1024x1024xf32>
      %get3A_48 = arith.constant 0 : index
      %get3A_49 = arith.constant 0 : index
      %get3A_50 = vector.load %arg15[%get3A_48, %get3A_49] : memref<1024x128xf32, #tpu.memory_space<vmem>>, vector<1024x128xf32>
      %convert_element_type3A_51 = arith.truncf %select_n3A_47 : vector<1024x1024xf32> to vector<1024x1024xbf16>
      %get3A_52 = arith.constant 0 : index
      %get3A_53 = arith.constant 0 : index
      %get3A_54 = vector.load %arg6[%get3A_52, %get3A_53] : memref<1024x128xbf16, #tpu.memory_space<vmem>>, vector<1024x128xbf16>
      %dot_general3A_55 = arith.constant dense<0.000000e+00> : vector<1024x128xf32>
      %dot_general3A_56 = tpu.matmul %convert_element_type3A_51, %get3A_54, %dot_general3A_55 {dimension_numbers = #tpu.dot_dimension_numbers<[1], [0], [0], [1], [0, 0, 1, 1], [], []>, transpose_lhs_hint = false} : vector<1024x1024xbf16>, vector<1024x128xbf16>, vector<1024x128xf32> -> vector<1024x128xf32>
      %add3A_57 = arith.addf %get3A_50, %dot_general3A_56 : vector<1024x128xf32>
      %swap3A = arith.constant 0 : index
      %swap3A_58 = arith.constant 0 : index
      %swap3A_59 = vector.load %arg15[%swap3A, %swap3A_58] : memref<1024x128xf32, #tpu.memory_space<vmem>>, vector<1024x128xf32>
      tpu.vector_store %arg15[%swap3A, %swap3A_58], %add3A_57 {strides = array<i32>} : memref<1024x128xf32, #tpu.memory_space<vmem>>, vector<1024x128xf32>,
      %get3A_60 = arith.constant 0 : index
      %get3A_61 = arith.constant 0 : index
      %get3A_62 = vector.load %arg16[%get3A_60, %get3A_61] : memref<1024x1xf32, #tpu.memory_space<vmem>>, vector<1024x1xf32>
      %reduce_sum3A_63 = arith.constant dense<0.000000e+00> : vector<1024xf32>
      %reduce_sum3A_64 = vector.multi_reduction <add>, %select_n3A_47, %reduce_sum3A_63 [1] : vector<1024x1024xf32> to vector<1024xf32>
      %broadcast_in_dim3A_65 = vector.shape_cast %reduce_sum3A_64 : vector<1024xf32> to vector<1024x1xf32>
      %add3A_66 = arith.addf %get3A_62, %broadcast_in_dim3A_65 : vector<1024x1xf32>
      %swap3A_67 = arith.constant 0 : index
      %swap3A_68 = arith.constant 0 : index
      %swap3A_69 = vector.load %arg16[%swap3A_67, %swap3A_68] : memref<1024x1xf32, #tpu.memory_space<vmem>>, vector<1024x1xf32>
      tpu.vector_store %arg16[%swap3A_67, %swap3A_68], %add3A_66 {strides = array<i32>} : memref<1024x1xf32, #tpu.memory_space<vmem>>, vector<1024x1xf32>,
    } else {
    }
    %eq3A_6 = arith.constant 9 : i32
    %eq3A_7 = arith.cmpi eq, %arg1, %eq3A_6 : i32
    %convert_element_type3A_8 = arith.extui %eq3A_7 : i1 to i32
    %cond3A_9 = arith.constant 0 : i32
    %cond3A_10 = arith.cmpi ne, %convert_element_type3A_8, %cond3A_9 : i32
    scf.if %cond3A_10 {
      %get3A_11 = arith.constant 0 : index
      %get3A_12 = arith.constant 0 : index
      %get3A_13 = vector.load %arg15[%get3A_11, %get3A_12] : memref<1024x128xf32, #tpu.memory_space<vmem>>, vector<1024x128xf32>
      %get3A_14 = arith.constant 0 : index
      %get3A_15 = arith.constant 0 : index
      %get3A_16 = vector.load %arg16[%get3A_14, %get3A_15] : memref<1024x1xf32, #tpu.memory_space<vmem>>, vector<1024x1xf32>
      %max3A = arith.constant 1.000000e+00 : f32
      %max3A_17 = vector.broadcast %max3A : f32 to vector<1024x1xf32>
      %max3A_18 = arith.maximumf %get3A_16, %max3A_17 : vector<1024x1xf32>
      %div3A = vector.broadcast %max3A_18 : vector<1024x1xf32> to vector<1024x128xf32>
      %div3A_19 = arith.divf %get3A_13, %div3A : vector<1024x128xf32>
      %get3A_20 = arith.constant 0 : index
      %get3A_21 = arith.constant 0 : index
      %get3A_22 = vector.load %arg7[%get3A_20, %get3A_21] : memref<1024x128xf32, #tpu.memory_space<vmem>>, vector<1024x128xf32>
      %get3A_23 = arith.constant 0 : index
      %get3A_24 = arith.constant 0 : index
      %get3A_25 = vector.load %arg9[%get3A_23, %get3A_24] : memref<128x256xf32, #tpu.memory_space<vmem>>, vector<128x256xf32>
      %slice3A = vector.extract_strided_slice %get3A_25 {offsets = [0, 0], sizes = [128, 128], strides = [1, 1]} : vector<128x256xf32> to vector<128x128xf32>
      %dot_general3A = arith.constant dense<0.000000e+00> : vector<1024x128xf32>
      %dot_general3A_26 = tpu.matmul %get3A_22, %slice3A, %dot_general3A {dimension_numbers = #tpu.dot_dimension_numbers<[1], [1], [0], [0], [0, 0, 1, 0], [], []>, transpose_lhs_hint = false} : vector<1024x128xf32>, vector<128x128xf32>, vector<1024x128xf32> -> vector<1024x128xf32>
      %slice3A_27 = vector.extract_strided_slice %get3A_25 {offsets = [0, 128], sizes = [128, 128], strides = [1, 1]} : vector<128x256xf32> to vector<128x128xf32>
      %dot_general3A_28 = arith.constant dense<0.000000e+00> : vector<1024x128xf32>
      %dot_general3A_29 = tpu.matmul %div3A_19, %slice3A_27, %dot_general3A_28 {dimension_numbers = #tpu.dot_dimension_numbers<[1], [1], [0], [0], [0, 0, 1, 0], [], []>, transpose_lhs_hint = false} : vector<1024x128xf32>, vector<128x128xf32>, vector<1024x128xf32> -> vector<1024x128xf32>
      %add3A = arith.addf %dot_general3A_26, %dot_general3A_29 : vector<1024x128xf32>
      %get3A_30 = arith.constant 0 : index
      %get3A_31 = arith.constant 0 : index
      %get3A_32 = vector.load %arg10[%get3A_30, %get3A_31] : memref<1x128xf32, #tpu.memory_space<vmem>>, vector<1x128xf32>
      %add3A_33 = vector.broadcast %get3A_32 : vector<1x128xf32> to vector<1024x128xf32>
      %add3A_34 = arith.addf %add3A, %add3A_33 : vector<1024x128xf32>
      %max3A_35 = arith.constant 0.000000e+00 : f32
      %max3A_36 = vector.broadcast %max3A_35 : f32 to vector<1024x128xf32>
      %max3A_37 = arith.maximumf %add3A_34, %max3A_36 : vector<1024x128xf32>
      %swap3A = arith.constant 0 : index
      %swap3A_38 = arith.constant 0 : index
      %swap3A_39 = vector.load %arg13[%swap3A, %swap3A_38] : memref<1024x128xf32, #tpu.memory_space<vmem>>, vector<1024x128xf32>
      tpu.vector_store %arg13[%swap3A, %swap3A_38], %max3A_37 {strides = array<i32>} : memref<1024x128xf32, #tpu.memory_space<vmem>>, vector<1024x128xf32>,
      %get3A_40 = arith.constant 0 : index
      %get3A_41 = arith.constant 0 : index
      %get3A_42 = vector.load %arg11[%get3A_40, %get3A_41] : memref<2x128xf32, #tpu.memory_space<vmem>>, vector<2x128xf32>
      %dot_general3A_43 = arith.constant dense<0.000000e+00> : vector<1024x2xf32>
      %dot_general3A_44 = tpu.matmul %max3A_37, %get3A_42, %dot_general3A_43 {dimension_numbers = #tpu.dot_dimension_numbers<[1], [1], [0], [0], [0, 0, 1, 0], [], []>, transpose_lhs_hint = false} : vector<1024x128xf32>, vector<2x128xf32>, vector<1024x2xf32> -> vector<1024x2xf32>
      %get3A_45 = arith.constant 0 : index
      %get3A_46 = arith.constant 0 : index
      %get3A_47 = vector.load %arg12[%get3A_45, %get3A_46] : memref<1x2xf32, #tpu.memory_space<vmem>>, vector<1x2xf32>
      %add3A_48 = vector.broadcast %get3A_47 : vector<1x2xf32> to vector<1024x2xf32>
      %add3A_49 = arith.addf %dot_general3A_44, %add3A_48 : vector<1024x2xf32>
      %swap3A_50 = arith.constant 0 : index
      %swap3A_51 = arith.constant 0 : index
      %swap3A_52 = vector.load %arg14[%swap3A_50, %swap3A_51] : memref<1024x2xf32, #tpu.memory_space<vmem>>, vector<1024x2xf32>
      tpu.vector_store %arg14[%swap3A_50, %swap3A_51], %add3A_49 {strides = array<i32>} : memref<1024x2xf32, #tpu.memory_space<vmem>>, vector<1024x2xf32>,
    } else {
    }
    return
  }
  func.func @transform_0(%arg0: i32, %arg1: i32, %arg2: memref<10x10xi32, #tpu.memory_space<smem>>, %arg3: memref<10xi32, #tpu.memory_space<smem>>) -> (i32, i32) {
    %c0_i32 = arith.constant 0 : i32
    %c0_i32_0 = arith.constant 0 : i32
    return %arg0, %c0_i32 : i32, i32
  }
  func.func @transform_1(%arg0: i32, %arg1: i32, %arg2: memref<10x10xi32, #tpu.memory_space<smem>>, %arg3: memref<10xi32, #tpu.memory_space<smem>>) -> (i32, i32) {
    %get3A = arith.index_cast %arg0 : i32 to index
    %get3A_0 = arith.index_cast %arg1 : i32 to index
    %get3A_1 = memref.load %arg2[%get3A, %get3A_0] : memref<10x10xi32, #tpu.memory_space<smem>>
    %c0_i32 = arith.constant 0 : i32
    %c0_i32_2 = arith.constant 0 : i32
    return %c0_i32, %get3A_1 : i32, i32
  }
  func.func @transform_2(%arg0: i32, %arg1: i32, %arg2: memref<10x10xi32, #tpu.memory_space<smem>>, %arg3: memref<10xi32, #tpu.memory_space<smem>>) -> (i32, i32) {
    %get3A = arith.index_cast %arg0 : i32 to index
    %get3A_0 = arith.index_cast %arg1 : i32 to index
    %get3A_1 = memref.load %arg2[%get3A, %get3A_0] : memref<10x10xi32, #tpu.memory_space<smem>>
    %c0_i32 = arith.constant 0 : i32
    %c0_i32_2 = arith.constant 0 : i32
    return %get3A_1, %c0_i32 : i32, i32
  }
  func.func @transform_3(%arg0: i32, %arg1: i32, %arg2: memref<10x10xi32, #tpu.memory_space<smem>>, %arg3: memref<10xi32, #tpu.memory_space<smem>>) -> (i32, i32) {
    %c0_i32 = arith.constant 0 : i32
    %c0_i32_0 = arith.constant 0 : i32
    return %arg0, %c0_i32 : i32, i32
  }
  func.func @transform_4(%arg0: i32, %arg1: i32, %arg2: memref<10x10xi32, #tpu.memory_space<smem>>, %arg3: memref<10xi32, #tpu.memory_space<smem>>) -> (i32, i32) {
    %c0_i32 = arith.constant 0 : i32
    %c0_i32_0 = arith.constant 0 : i32
    %c0_i32_1 = arith.constant 0 : i32
    return %c0_i32, %c0_i32_0 : i32, i32
  }
  func.func @transform_5(%arg0: i32, %arg1: i32, %arg2: memref<10x10xi32, #tpu.memory_space<smem>>, %arg3: memref<10xi32, #tpu.memory_space<smem>>) -> (i32, i32) {
    %c0_i32 = arith.constant 0 : i32
    %c0_i32_0 = arith.constant 0 : i32
    %c0_i32_1 = arith.constant 0 : i32
    return %c0_i32, %c0_i32_0 : i32, i32
  }
  func.func @transform_6(%arg0: i32, %arg1: i32, %arg2: memref<10x10xi32, #tpu.memory_space<smem>>, %arg3: memref<10xi32, #tpu.memory_space<smem>>) -> (i32, i32) {
    %c0_i32 = arith.constant 0 : i32
    %c0_i32_0 = arith.constant 0 : i32
    %c0_i32_1 = arith.constant 0 : i32
    return %c0_i32, %c0_i32_0 : i32, i32
  }
  func.func @transform_7(%arg0: i32, %arg1: i32, %arg2: memref<10x10xi32, #tpu.memory_space<smem>>, %arg3: memref<10xi32, #tpu.memory_space<smem>>) -> (i32, i32) {
    %c0_i32 = arith.constant 0 : i32
    %c0_i32_0 = arith.constant 0 : i32
    %c0_i32_1 = arith.constant 0 : i32
    return %c0_i32, %c0_i32_0 : i32, i32
  }
  func.func @transform_8(%arg0: i32, %arg1: i32, %arg2: memref<10x10xi32, #tpu.memory_space<smem>>, %arg3: memref<10xi32, #tpu.memory_space<smem>>) -> (i32, i32) {
    %c0_i32 = arith.constant 0 : i32
    %c0_i32_0 = arith.constant 0 : i32
    %c0_i32_1 = arith.constant 0 : i32
    return %c0_i32, %c0_i32_0 : i32, i32
  }
  func.func @transform_9(%arg0: i32, %arg1: i32, %arg2: memref<10x10xi32, #tpu.memory_space<smem>>, %arg3: memref<10xi32, #tpu.memory_space<smem>>) -> (i32, i32) {
    %c0_i32 = arith.constant 0 : i32
    %c0_i32_0 = arith.constant 0 : i32
    return %arg0, %c0_i32 : i32, i32
  }
  func.func @transform_10(%arg0: i32, %arg1: i32, %arg2: memref<10x10xi32, #tpu.memory_space<smem>>, %arg3: memref<10xi32, #tpu.memory_space<smem>>) -> (i32, i32) {
    %c0_i32 = arith.constant 0 : i32
    %c0_i32_0 = arith.constant 0 : i32
    return %arg0, %c0_i32 : i32, i32
  }
}

</mosaic_0001>

<sc_bundles>
// kernel: gather_offload_async_start.1
scs
__scs_entry_jumppad:
0x0: {  	(pc) =	sbr.rel $0x88, $3  }
0x1: {  	(tag) =	ssettag $0x0;
	lr =	simm.s32 $0x1  }
0x2: {  	[smem:$0x3F97] =	sst lr;
	_ =	strace $0xD0000000  }
0x3: {  	_ = 	snop  }
0x4: {  	_ = 	snop  }
0x5: {  	_ = 	snop  }
0x6: {  	_ = 	snop  }
0x7: {  	_ = 	snop  }
__scs_overlays_trampoline_lowered:
0x8: {  	[smem:$0x3FA6] =	sst s0  }
0x9: {  	[smem:$0x3FA7] =	sst s1  }
0xa: {  	[smem:$0x3FA8] =	sst s2  }
0xb: {  	[smem:$0x3FA9] =	sst s3  }
0xc: {  	[smem:$0x3FAA] =	sst s4  }
0xd: {  	[smem:$0x3FAB] =	sst s5  }
0xe: {  	[smem:$0x3FAC] =	sst s6  }
0xf: {  	[smem:$0x3FAD] =	sst s7  }
0x10: {  	[smem:$0x3FAE] =	sst s8  }
0x11: {  	[smem:$0x3FAF] =	sst s9;
	s0 =	simm.s32 @!p0 $0x0  }
0x12: {  	s1 =	sld [smem:$0x3F95];
	s0 =	simm.s32 @p0 $0x1  }
0x13: {  	[smem:$0x3FB0] =	sst s0;
	s0 =	simm.s32 @!p1 $0x0  }
0x14: {  	s2 =	sld [smem:$0x3F94];
	s0 =	simm.s32 @p1 $0x1  }
0x15: {  	[smem:$0x3FB1] =	sst s0;
	s0 =	simm.s32 @!p2 $0x0  }
0x16: {  	s3 =	sld [smem:$0x3FDB];
	s0 =	simm.s32 @p2 $0x1  }
0x17: {  	s4 =	simm.s32 $0x1BF5;
	[smem:$0x3FB3] =	sst s0  }
0x18: {  	s0 =	sld [smem:$0x3F96];
	_ =	swait.ge [sflag:s4], $0x0  }
0x19: {  	s7 =	sld [smem:$0x3F97]  }
0x1a: {  	s8 =	sadd.s32 $0xFFFFE003, lr  }
0x1b: {  	s9 =	sadd.s32 $0xFFFFFEF7, lr;
	s5 =	simm.s32 $0xFFFFFFFF;
	p2 =	slt.u32 s8, $0xFFFFF086  }
0x1c: {  	p1 =	slt.u32 s9, $0xF7A;
	s5 =	simm.s32 @!p2 $0x0  }
0x1d: {  	s5 =	simm.s32 @p1 $0x1;
	p0 =	seq.s32 s7, s2  }
0x1e: {  	s7 =	smul.u32 @!p0 $0xF7A, s2;
	p2 =	seq.s32 @!p0 s5, $0x0  }
0x1f: {  	s9 =	smul.u32 $0xF7A, s1;
	s8 =	simm.s32 @!p0 $0x1BF5;
	p2 =	por !p2, p0  }
0x20: {  	[sflag:s8] =	ssyncset.s32 @!p0 $0xFFFFF086;
	s6 =	sadd.s32 @!p0 s3, s7;
	s7 =	simm.s32 @!p0 $0x108  }
0x21: {  	s3 =	sadd.s32 s3, s9;
	s6 =	sadd.s32 @!p0 $0x88, s6;
	s7 =	simm.s32 @p2 $0x1082  }
0x22: {  	[simem:s7], [sflag:s8] =	dma.local @!p0 [hbm:s6], $0xF7A  }
0x23: {  	s9 =	sor.u32 $0xD0000000, s2;
	s6 =	simm.s32 $0x108;
	_ =	swait.ge @!p0 [sflag:s8], $0x0  }
0x24: {  	s3 =	sadd.s32 $0x88, s3;
	s6 =	simm.s32 @!p1 $0x1082;
	[sflag:s4] =	ssyncset.s32 $0xFFFFF086  }
0x25: {  	[simem:s6], [sflag:s4] =	dma.local [hbm:s3], $0xF7A  }
0x26: {  	[smem:$0x3F97] =	sst s1;
	(tag) =	ssettag s2;
	_ =	strace s9  }
0x27: {  	s1 =	sld [smem:$0x3FA7]  }
0x28: {  	s2 =	sld [smem:$0x3FA8]  }
0x29: {  	s4 =	sld [smem:$0x3FAA]  }
0x2a: {  	p0 =	seq.s32 s5, $0x0;
	s5 =	sld [smem:$0x3FAB]  }
0x2b: {  	s6 =	sld [smem:$0x3FAC]  }
0x2c: {  	s7 =	sld [smem:$0x3FAD]  }
0x2d: {  	s3 =	simm.s32 $0x108;
	s8 =	sld [smem:$0x3FAE]  }
0x2e: {  	s3 =	simm.s32 @!p0 $0x1082;
	s9 =	sld [smem:$0x3FAF]  }
0x2f: {  	lr =	sadd.s32 s0, s3;
	s0 =	sld [smem:$0x3FA6]  }
0x30: {  	s3 =	sld [smem:$0x3FA9]  }
0x31: {  	[smem:$0x3FB2] =	sst s10  }
0x32: {  	s10 =	sld [smem:$0x3FB0];
	_ =	sdelay $0x3  }
0x33: {  	p0 =	seq.s32 s10, $0x1;
	s10 =	sld [smem:$0x3FB2];
	_ =	sdelay $0x3  }
0x34: {  	[smem:$0x3FB2] =	sst s10  }
0x35: {  	s10 =	sld [smem:$0x3FB1];
	_ =	sdelay $0x3  }
0x36: {  	p1 =	seq.s32 s10, $0x1;
	s10 =	sld [smem:$0x3FB2];
	_ =	sdelay $0x3  }
0x37: {  	[smem:$0x3FB2] =	sst s10  }
0x38: {  	s10 =	sld [smem:$0x3FB3]  }
0x39: {  	_ = 	snop;
	(pc) =	sbr.ind lr, $3  }
0x3a: {  	_ = 	snop  }
0x3b: {  	_ = 	snop  }
0x3c: {  	p2 =	seq.s32 s10, $0x1;
	s10 =	sld [smem:$0x3FB2]  }
0x3d: {  	_ =	shalt  }
0x3e: {  	_ =	shalt  }
0x3f: {  	_ =	shalt  }
0x40: {  	_ =	shalt  }
0x41: {  	_ =	shalt  }
0x42: {  	_ =	shalt  }
0x43: {  	_ =	shalt  }
0x44: {  	_ =	shalt  }
0x45: {  	_ =	shalt  }
0x46: {  	_ =	shalt  }
0x47: {  	_ =	shalt  }
0x48: {  	_ =	shalt  }
0x49: {  	_ =	shalt  }
0x4a: {  	_ =	shalt  }
0x4b: {  	_ =	shalt  }
0x4c: {  	_ =	shalt  }
0x4d: {  	_ =	shalt  }
0x4e: {  	_ =	shalt  }
0x4f: {  	_ =	shalt  }
0x50: {  	_ =	shalt  }
0x51: {  	_ =	shalt  }
0x52: {  	_ =	shalt  }
0x53: {  	_ =	shalt  }
0x54: {  	_ =	shalt  }
0x55: {  	_ =	shalt  }
0x56: {  	_ =	shalt  }
0x57: {  	_ =	shalt  }
0x58: {  	_ =	shalt  }
0x59: {  	_ =	shalt  }
0x5a: {  	_ =	shalt  }
0x5b: {  	_ =	shalt  }
0x5c: {  	_ =	shalt  }
0x5d: {  	_ =	shalt  }
0x5e: {  	_ =	shalt  }
0x5f: {  	_ =	shalt  }
0x60: {  	_ =	shalt  }
0x61: {  	_ =	shalt  }
0x62: {  	_ =	shalt  }
0x63: {  	_ =	shalt  }
0x64: {  	_ =	shalt  }
0x65: {  	_ =	shalt  }
0x66: {  	_ =	shalt  }
0x67: {  	_ =	shalt  }
0x68: {  	_ =	shalt  }
0x69: {  	_ =	shalt  }
0x6a: {  	_ =	shalt  }
0x6b: {  	_ =	shalt  }
0x6c: {  	_ =	shalt  }
0x6d: {  	_ =	shalt  }
0x6e: {  	_ =	shalt  }
0x6f: {  	_ =	shalt  }
0x70: {  	_ =	shalt  }
0x71: {  	_ =	shalt  }
0x72: {  	_ =	shalt  }
0x73: {  	_ =	shalt  }
0x74: {  	_ =	shalt  }
0x75: {  	_ =	shalt  }
0x76: {  	_ =	shalt  }
0x77: {  	_ =	shalt  }
0x78: {  	_ =	shalt  }
0x79: {  	_ =	shalt  }
0x7a: {  	_ =	shalt  }
0x7b: {  	_ =	shalt  }
0x7c: {  	_ =	shalt  }
0x7d: {  	_ =	shalt  }
0x7e: {  	_ =	shalt  }
0x7f: {  	_ =	shalt  }
0x80: {  	_ =	shalt  }
0x81: {  	_ =	shalt  }
0x82: {  	_ =	shalt  }
0x83: {  	_ =	shalt  }
0x84: {  	_ =	shalt  }
0x85: {  	_ =	shalt  }
0x86: {  	_ =	shalt  }
0x87: {  	_ =	shalt  }
.Lfunc_end0:
.L_simem_size_0:
called_computation.1_lowered:
.L_overlay_start_0:
0x88: {  	s2 =	sld [smem:$0x3FD9]  }
0x89: {  	s3 =	sld [smem:$0x3FFE];
	_ =	sdelay $0x1  }
0x8a: {  	s1 =	srdreg.scid  }
0x8b: {  	s0 =	sand.u32 $0x1, s1  }
0x8c: {  	s14 =	sshll.u32 s0, $0xA;
	s2 =	sadd.s32 s3, s2  }
0x8d: {  	s2 =	sadd.s32 s2, s14  }
0x8e: {  	[smem:$0x3FBE] =	sst s2  }
0x8f: {  	_ = 	snop  }
0x90: {  	s2 =	sld [smem:$0x3FD0];
	_ =	sdelay $0x2  }
0x91: {  	s15 =	simm.s32 $0xB;
	s4 =	simm.s32 $0x10  }
0x92: {  	[smem:s4], [sflag:s15] =	dma.local [hbm:s2], $0x1  }
0x93: {  	_ =	swait.eq [sflag:s15], $0x1  }
0x94: {  	[sflag:s15] =	ssyncset.done $0x0  }
0x95: {  	[sflag:s15] =	ssyncadd.s32 $0xFFFFFFFF  }
0x96: {  	s16 =	sld [smem:$0x10];
	(tm) =	ssettm $0x1  }
0x97: {  	s17 =	sld [smem:$0x3FFB];
	_ =	sdelay $0x3  }
0x98: {  	_ =	strace s17  }
0x99: {  	s3 =	sld [smem:$0x3FFC];
	_ =	sdelay $0x3  }
0x9a: {  	_ =	strace s3  }
0x9b: {  	s3 =	sld [smem:$0x3FFD];
	_ =	sdelay $0x3  }
0x9c: {  	_ =	strace s3  }
0x9d: {  	_ =	strace $0x8FFFFFFF  }
0x9e: {  	s18 =	sld [smem:$0x3FDB];
	_ =	sdelay $0x1  }
0x9f: {  	s19 =	simm.s32 $_scs_section_size  }
0xa0: {  	s5 =	simm.s32 $_size__tile_overlayer_lowered;
	s6 =	simm.s32 $_tile_overlayer_lowered  }
0xa1: {  	s22 =	simm.s32 $0x1BFF;
	s21 =	sshll.u32 s6, $0x1;
	s3 =	sadd.s32 s19, s18  }
0xa2: {  	s7 =	simm.s32 $0x0;
	s20 =	sshll.u32 s5, $0x1;
	s5 =	sadd.s32 s21, s3  }
0xa3: {  	[timem:s7], [sflag:s22] =	dma.local [hbm:s5], s20  }
0xa4: {  	_ =	swait.ge [sflag:s22], s20  }
0xa5: {  	s4 =	ssub.s32 $0x0, s20;
	[sflag:s22] =	ssyncset.done $0x0  }
0xa6: {  	[sflag:s22] =	ssyncadd.s32 s4;
	_ =	sdelay $0x1  }
0xa7: {  	s23 =	simm.s32 $0x1B8B  }
0xa8: {  	_ =	swait.ge [sflag:s23], $0x1  }
0xa9: {  	[sflag:s23] =	ssyncset.done $0x0  }
0xaa: {  	s25 =	simm.s32 $0x1B8E;
	s24 =	sld [smem:$0x3FFE];
	[sflag:s23] =	ssyncadd.s32 $0xFFFFFFFF  }
0xab: {  	s26 =	simm.s32 $execute0_lowered;
	[smem:$0x3FD2] =	sst s25  }
0xac: {  	s5 =	sshll.u32 s26, $0x1;
	_ =	strace $0x80000049;
	[dreg:$0x1] =	wrdreg $0xFFFFFFFF  }
0xad: {  	s28 =	simm.s32 $_size_execute0_lowered;
	s3 =	sadd.s32 s3, s5;
	[dreg:$0x0] =	wrdreg $0x0  }
0xae: {  	s5 =	sshll.u32 s28, $0x1;
	[dreg:$0x2] =	wrdreg s3  }
0xaf: {  	[dreg:$0x3] =	wrdreg s5  }
0xb0: {  	[dreg:$0x4] =	wrdreg $0xC0  }
0xb1: {  	_ =	task [dreg:s7], $0x5FFFF  }
0xb2: {  	[dreg:$0x1] =	wrdreg $0xFFFFFFFF  }
0xb3: {  	[dreg:$0x0] =	wrdreg $0x60  }
0xb4: {  	[dreg:$0x2] =	wrdreg s24  }
0xb5: {  	[dreg:$0x3] =	wrdreg s16  }
0xb6: {  	[dreg:$0x4] =	wrdreg $0x9  }
0xb7: {  	_ =	task.clear_ibuf [dreg:s7], $0x5FFFF;
	_ =	strace $0x90000049  }
0xb8: {  	s29 =	simm.s32 $0x9;
	_ =	strace $0x8000004B  }
0xb9: {  	_ =	swait.ge [sflag:s29], $0x1  }
0xba: {  	[sflag:s29] =	ssyncadd.s32 $0xFFFFFFFF  }
0xbb: {  	_ =	strace $0x9000004B  }
0xbc: {  	_ =	sfence  }
0xbd: {  	s30 =	sld [smem:$0x0];
	_ =	sdelay $0x2  }
0xbe: {  	s31 =	sshll.u32 s1, $0xD;
	s1 =	sshrl.u32 s1, $0x2  }
0xbf: {  	s3 =	sand.u32 $0x4000, s31;
	s1 =	sadd.s32 s1, s30  }
0xc0: {  	s0 =	sor.u32 s3, s0;
	s1 =	sshll.u32 s1, $0x11  }
0xc1: {  	s0 =	sor.u32 s1, s0  }
0xc2: {  	s0 =	sadd.s32 $0x8F2B, s0  }
0xc3: {  	[sflag:s0] =	ssyncadd.remote.s32 $0x1  }
0xc4: {  	_ =	sfence.sel $0xFFFF  }
0xc5: {  	[dreg:$0x0] =	wrdreg $0xFFFFFFFF;
	(pc) =	sbr.abs _section_cstart, $3  }
0xc6: {  	[dreg:$0x1] =	wrdreg $0xFFFFFFFF  }
0xc7: {  	_ =	task.clear_ibuf [dreg:s7], $0x2FFFF;
	_ =	strace $0x9FFFFFFF  }
0xc8: {  	(tm) =	ssettm $0x7FFFFFFF  }
0xc9: {  	_ =	shalt  }
tec
execute0_lowered:
.L_overlay_start_1:
0x0: {  	(tag) =	ssettag $0x1  }
0x1: {  	s0 =	srdreg.scid  }
0x2: {  	s1 =	sshll.u32 s0, $0x4  }
0x3: {  	s0 =	stileid.u32;
	s1 =	sand.u32 $0x10, s1  }
0x4: {  	s9 =	rddreg [dreg:$0x0];
	s1 =	sor.u32 s0, s1  }
0x5: {  	s3 =	rddreg [dreg:$0x1];
	s2 =	smin.u32 s1, $0x8  }
0x6: {  	p0 =	slt.u32 s1, $0x8;
	s2 =	sadd.s32 s1, s2;
	s1 =	simm.s32 $0x200  }
0x7: {  	s6 =	simm.s32 $0x1;
	s2 =	sshll.u32 s2, $0x8;
	s1 =	simm.s32 @!p0 $0x100  }
0x8: {  	s7 =	simm.s32 $0x2;
	s10 =	simm.s32 $0x3;
	s4 =	sadd.s32 s1, s2  }
0x9: {  	s13 =	simm.s32 $0x0;
	s12 =	simm.s32 $0x0;
	s4 =	smin.u32 s4, $0x2800  }
.Ltmp0:
0xa: {  	s5 =	sadd.s32 $0x50600, s9;
	s8 =	ssub.s32 s4, s2;
	(pc) =	sbr.rel .LBB2_1-.Ltmp0, $4  }
0xb: {  	s1 =	rddreg [dreg:$0x2];
	_ =	strace $0x8000004A;
	p0 =	sgt.s32 s8, $0x0  }
0xc: {  	s9 =	sadd.s32 $0x600, s9;
	[sflag:s6] =	ssyncpa.u1 $0x0;
	s8 =	simm.s32 @!p0 $0x0  }
0xd: {  	s11 =	smov.u32 s2;
	[sflag:s7] =	ssyncpa.u1 $0x0;
	s8 =	sshrl.u32 s8, $0x8  }
0xe: {  	vm0 =	vmmov $0xff;
	vm1 =	vcmask $0x3F20;
	[sflag:s10] =	ssyncpa.u1 $0x0;
	p0 =	por $0x0, $0x0;
	s10 =	sadd.s32 $0x1, s8  }
.LBB2_6:
0xf: {  	[hbm:s17] =	stream.linear.scatter [tilespmem:s14], [sflag:$0x3], $0x400, $0x38;
	[tilespmem:$0x10200] =	vst v63  }
.LBB2_7:
0x10: {  	s13 =	sadd.s32 $0x100, s11  }
0x11: {  	s15 =	smov.u32 s2;
	p2 =	slt.s32 s13, s4  }
0x12: {  	s15 =	smov.u32 @p2 s13;
	p2 =	sne.s32 s12, s10  }
.Ltmp1:
0x13: {  	p1 =	slt.u32 s12, $0x2;
	(pc) =	sbr.rel @!p2 .LBB2_8-.Ltmp1, $4  }
0x14: {  	s14 =	simm.s32 @!p1 $0x3  }
0x15: {  	s16 =	sadd.s32 $0x1, s12;
	_ =	swait.ge @!p1 [sflag:s14], $0x8000  }
0x16: {  	p0 =	por !p0, !p0;
	s13 =	smov.u32 s11;
	[sflag:s14] =	ssyncset.done @!p1 $0x0  }
0x17: {  	s12 =	smov.u32 s16;
	s11 =	smov.u32 s15;
	[sflag:s14] =	ssyncadd.s32 @!p1 $0xFFFF8000  }
.LBB2_1:
0x18: {  	p1 =	sge.u32 s12, s8  }
0x19: {  	s14 =	sxor.u32 @!p1 $0xFFFFFFFF, s12  }
0x1a: {  	s31 =	sadd.s32 $0xFFFFFFFF, s12;
	s15 =	sshrl.u32 @!p1 s11, $0x3;
	s14 =	sshll.u32 @!p1 s14, $0x8  }
0x1b: {  	s16 =	sand.u32 @!p1 $0x7, s11;
	s15 =	sadd.s32 @!p1 s3, s15;
	s14 =	sand.u32 @!p1 $0x100, s14  }
0x1c: {  	[tilespmem:s14], [sflag:$0x2] =	stream.linear.gather @!p1 [hbm4b:s15+s16], $0x100, $0x38;
	[tilespmem:$0x10200] =	vst v63  }
0x1d: {  	p1 =	sge.u32 s31, s8  }
.Ltmp2:
0x1e: {  	_ = 	snop;
	(pc) =	sbr.rel @p1 .LBB2_7-.Ltmp2, $1  }
0x1f: {  	_ =	sdelay $0x3  }
0x20: {  	s14 =	simm.s32 $0x1  }
0x21: {  	_ =	swait.ge [sflag:s7], $0x100;
	s14 =	simm.s32 @!p0 $0x0  }
0x22: {  	[sflag:s7] =	ssyncset.done $0x0;
	s16 =	sshll.u32 s14, $0x8  }
0x23: {  	[sflag:s7] =	ssyncadd.s32 $0xFFFFFF00;
	s15 =	sadd.s32 $0x0, s16  }
0x24: {  	v0 =	vld.msk [tilespmem:s15+$0x0 ss:$0x1], $0xffff;
	_ =	sdelay $0x4  }
0x25: {  	vm2 =	vgt.s32 v0, $0x0  }
0x26: {  	v0 =	vnsel vm2, $0x0, v0  }
0x27: {  	v0 =	vmin.u32 v0, $0x27FF  }
0x28: {  	v0 =	vshll.u32 v0, $0x4;
	_ =	sdelay $0x2  }
0x29: {  	s14 =	sshll.u32 s14, $0xF  }
0x2a: {  	s14 =	sor.u32 $0x200, s14  }
0x2b: {  	[tilespmem:s14], [sflag:$0x1] =	stream.indirect_vreg.gather [hbm:s5], $0x80, v0, vm0, $0x38;
	[tilespmem:$0x10200] =	vst v63  }
0x2c: {  	s17 =	sadd.s32 $0x10, s16;
	s15 =	sadd.s32 $0x400, s14  }
0x2d: {  	[tilespmem:s15], [sflag:$0x1] =	stream.indirect_vreg.gather [hbm:s5], $0x80, v0, vm1, $0x38;
	[tilespmem:$0x10200] =	vst v63  }
0x2e: {  	s18 =	simm.s32 $0x80;
	v0 =	vld.msk [tilespmem:s17+$0x0 ss:$0x1], $0xffff;
	s17 =	smov.u32 s14  }
.LBB2_3:
0x2f: {  	p1 =	sne.s32 s18, $0x3C0;
	_ =	sdelay $0x4  }
0x30: {  	vm2 =	vgt.s32 v0, $0x0  }
0x31: {  	v0 =	vnsel vm2, $0x0, v0  }
0x32: {  	v0 =	vmin.u32 v0, $0x27FF  }
0x33: {  	v0 =	vshll.u32 v0, $0x4;
	_ =	sdelay $0x3  }
.Ltmp3:
0x34: {  	s19 =	sshra.s32 s18, $0x2;
	s17 =	sadd.s32 $0x800, s17;
	(pc) =	sbr.rel @p1 .LBB2_3-.Ltmp3, $4  }
0x35: {  	[tilespmem:s17], [sflag:$0x1] =	stream.indirect_vreg.gather [hbm:s5], $0x80, v0, vm0, $0x38;
	[tilespmem:$0x10200] =	vst v63  }
0x36: {  	s19 =	sadd.s32 s19, s16;
	s20 =	sadd.s32 $0x400, s17  }
0x37: {  	[tilespmem:s20], [sflag:$0x1] =	stream.indirect_vreg.gather [hbm:s5], $0x80, v0, vm1, $0x38;
	[tilespmem:$0x10200] =	vst v63  }
0x38: {  	s18 =	sadd.s32 $0x40, s18;
	v0 =	vld.msk [tilespmem:s19+$0x0 ss:$0x1], $0xffff  }
0x39: {  	_ =	sdelay $0x3  }
0x3a: {  	vm2 =	vgt.s32 v0, $0x0  }
0x3b: {  	v0 =	vnsel vm2, $0x0, v0  }
0x3c: {  	v0 =	vmin.u32 v0, $0x27FF  }
0x3d: {  	v0 =	vshll.u32 v0, $0x4;
	_ =	sdelay $0x3  }
0x3e: {  	s16 =	sadd.s32 $0x800, s17  }
0x3f: {  	[tilespmem:s16], [sflag:$0x1] =	stream.indirect_vreg.gather [hbm:s5], $0x80, v0, vm0, $0x38;
	[tilespmem:$0x10200] =	vst v63  }
0x40: {  	s16 =	sadd.s32 $0x400, s16  }
0x41: {  	[tilespmem:s16], [sflag:$0x1] =	stream.indirect_vreg.gather [hbm:s5], $0x80, v0, vm1, $0x38;
	[tilespmem:$0x10200] =	vst v63  }
0x42: {  	s13 =	sshll.u32 s13, $0x4;
	_ =	swait.ge [sflag:s6], $0x8000  }
0x43: {  	s13 =	sadd.s32 s13, s9;
	[sflag:s6] =	ssyncset.done $0x0  }
0x44: {  	s17 =	sadd.s32 $0x0, s13;
	s16 =	simm.s32 $0x80;
	[sflag:s6] =	ssyncadd.s32 $0xFFFF8000  }
.LBB2_5:
0x45: {  	[hbm:s17] =	stream.linear.scatter [tilespmem:s14], [sflag:$0x3], $0x400, $0x38;
	[tilespmem:$0x10200] =	vst v63  }
0x46: {  	s17 =	smov.u32 s16;
	s14 =	smov.u32 s15;
	p1 =	sne.s32 s16, $0xF80  }
.Ltmp4:
0x47: {  	s16 =	sadd.s32 $0x80, s16;
	(pc) =	sbr.rel @p1 .LBB2_5-.Ltmp4, $2  }
0x48: {  	_ =	sdelay $0x2  }
0x49: {  	s15 =	sadd.s32 $0x400, s15;
	s17 =	sadd.s32 s17, s13  }
.Ltmp5:
0x4a: {  	_ = 	snop;
	(pc) =	sbr.rel .LBB2_6-.Ltmp5, $1  }
0x4b: {  	_ =	sdelay $0x3  }
.LBB2_8:
0x4c: {  	_ =	sfence.sel $0x180000  }
0x4d: {  	s2 =	simm.s32 $0x2;
	[bflag:$0x0] =	sbarrier.arrive $0xFFFF  }
0x4e: {  	s30 =	simm.s32 $0x3;
	[sflag:s2] =	ssyncpa.u1 $0x1  }
0x4f: {  	s31 =	simm.s32 $0x1;
	[sflag:s30] =	ssyncpa.u1 $0x1  }
0x50: {  	[sflag:s31] =	ssyncpa.u1 $0x1  }
0x51: {  	p0 =	sne.s32 s0, $0x0;
	_ =	strace $0x9000004A  }
0x52: {  	s0 =	sadd.s32 @!p0 $0x100000, s1;
	[bflag:$0x2] =	sbarrier.arrive $0xFFFF  }
0x53: {  	[sflag:s0] =	ssyncadd.tile.s32 @!p0 $0x1;
	_ =	shalt  }
.Lfunc_end2:
_tile_overlayer_lowered:
.L_overlay_start_2:
0x54: {  	(tag) =	ssettag $0x2  }
0x55: {  	s0 =	rddreg [dreg:$0x0];
	s2 =	stileid.u32  }
0x56: {  	s1 =	rddreg [dreg:$0x1];
	p0 =	sne.s32 s2, $0x0  }
0x57: {  	s3 =	rddreg [dreg:$0x2];
	[bflag:$0x3] =	sbarrier.arrive $0xFFFF;
	s2 =	simm.s32 @!p0 $0x1C01  }
0x58: {  	[timem:s3], [sflag:s2] =	dma.local @!p0 [hbm:s0], s1  }
0x59: {  	s0 =	simm.s32 @!p0 $0x1  }
0x5a: {  	_ =	swait.ge @!p0 [sflag:s0], s1  }
0x5b: {  	s1 =	ssub.s32 @!p0 $0x0, s1;
	[sflag:s0] =	ssyncset.done @!p0 $0x0  }
0x5c: {  	[sflag:s0] =	ssyncadd.s32 @!p0 s1  }
0x5d: {  	[bflag:$0x3] =	sbarrier.arrive $0xFFFF  }
0x5e: {  	_ =	shalt  }

// kernel: gather_offload_async_start.2
scs
__scs_entry_jumppad:
0x0: {  	(pc) =	sbr.rel $0x88, $3  }
0x1: {  	(tag) =	ssettag $0x0;
	lr =	simm.s32 $0x1  }
0x2: {  	[smem:$0x3F97] =	sst lr;
	_ =	strace $0xD0000000  }
0x3: {  	_ = 	snop  }
0x4: {  	_ = 	snop  }
0x5: {  	_ = 	snop  }
0x6: {  	_ = 	snop  }
0x7: {  	_ = 	snop  }
__scs_overlays_trampoline_lowered:
0x8: {  	[smem:$0x3FA6] =	sst s0  }
0x9: {  	[smem:$0x3FA7] =	sst s1  }
0xa: {  	[smem:$0x3FA8] =	sst s2  }
0xb: {  	[smem:$0x3FA9] =	sst s3  }
0xc: {  	[smem:$0x3FAA] =	sst s4  }
0xd: {  	[smem:$0x3FAB] =	sst s5  }
0xe: {  	[smem:$0x3FAC] =	sst s6  }
0xf: {  	[smem:$0x3FAD] =	sst s7  }
0x10: {  	[smem:$0x3FAE] =	sst s8  }
0x11: {  	[smem:$0x3FAF] =	sst s9;
	s0 =	simm.s32 @!p0 $0x0  }
0x12: {  	s1 =	sld [smem:$0x3F95];
	s0 =	simm.s32 @p0 $0x1  }
0x13: {  	[smem:$0x3FB0] =	sst s0;
	s0 =	simm.s32 @!p1 $0x0  }
0x14: {  	s2 =	sld [smem:$0x3F94];
	s0 =	simm.s32 @p1 $0x1  }
0x15: {  	[smem:$0x3FB1] =	sst s0;
	s0 =	simm.s32 @!p2 $0x0  }
0x16: {  	s3 =	sld [smem:$0x3FDB];
	s0 =	simm.s32 @p2 $0x1  }
0x17: {  	s4 =	simm.s32 $0x1BF5;
	[smem:$0x3FB3] =	sst s0  }
0x18: {  	s0 =	sld [smem:$0x3F96];
	_ =	swait.ge [sflag:s4], $0x0  }
0x19: {  	s7 =	sld [smem:$0x3F97]  }
0x1a: {  	s8 =	sadd.s32 $0xFFFFE003, lr  }
0x1b: {  	s9 =	sadd.s32 $0xFFFFFEF7, lr;
	s5 =	simm.s32 $0xFFFFFFFF;
	p2 =	slt.u32 s8, $0xFFFFF086  }
0x1c: {  	p1 =	slt.u32 s9, $0xF7A;
	s5 =	simm.s32 @!p2 $0x0  }
0x1d: {  	s5 =	simm.s32 @p1 $0x1;
	p0 =	seq.s32 s7, s2  }
0x1e: {  	s7 =	smul.u32 @!p0 $0xF7A, s2;
	p2 =	seq.s32 @!p0 s5, $0x0  }
0x1f: {  	s9 =	smul.u32 $0xF7A, s1;
	s8 =	simm.s32 @!p0 $0x1BF5;
	p2 =	por !p2, p0  }
0x20: {  	[sflag:s8] =	ssyncset.s32 @!p0 $0xFFFFF086;
	s6 =	sadd.s32 @!p0 s3, s7;
	s7 =	simm.s32 @!p0 $0x108  }
0x21: {  	s3 =	sadd.s32 s3, s9;
	s6 =	sadd.s32 @!p0 $0x88, s6;
	s7 =	simm.s32 @p2 $0x1082  }
0x22: {  	[simem:s7], [sflag:s8] =	dma.local @!p0 [hbm:s6], $0xF7A  }
0x23: {  	s9 =	sor.u32 $0xD0000000, s2;
	s6 =	simm.s32 $0x108;
	_ =	swait.ge @!p0 [sflag:s8], $0x0  }
0x24: {  	s3 =	sadd.s32 $0x88, s3;
	s6 =	simm.s32 @!p1 $0x1082;
	[sflag:s4] =	ssyncset.s32 $0xFFFFF086  }
0x25: {  	[simem:s6], [sflag:s4] =	dma.local [hbm:s3], $0xF7A  }
0x26: {  	[smem:$0x3F97] =	sst s1;
	(tag) =	ssettag s2;
	_ =	strace s9  }
0x27: {  	s1 =	sld [smem:$0x3FA7]  }
0x28: {  	s2 =	sld [smem:$0x3FA8]  }
0x29: {  	s4 =	sld [smem:$0x3FAA]  }
0x2a: {  	p0 =	seq.s32 s5, $0x0;
	s5 =	sld [smem:$0x3FAB]  }
0x2b: {  	s6 =	sld [smem:$0x3FAC]  }
0x2c: {  	s7 =	sld [smem:$0x3FAD]  }
0x2d: {  	s3 =	simm.s32 $0x108;
	s8 =	sld [smem:$0x3FAE]  }
0x2e: {  	s3 =	simm.s32 @!p0 $0x1082;
	s9 =	sld [smem:$0x3FAF]  }
0x2f: {  	lr =	sadd.s32 s0, s3;
	s0 =	sld [smem:$0x3FA6]  }
0x30: {  	s3 =	sld [smem:$0x3FA9]  }
0x31: {  	[smem:$0x3FB2] =	sst s10  }
0x32: {  	s10 =	sld [smem:$0x3FB0];
	_ =	sdelay $0x3  }
0x33: {  	p0 =	seq.s32 s10, $0x1;
	s10 =	sld [smem:$0x3FB2];
	_ =	sdelay $0x3  }
0x34: {  	[smem:$0x3FB2] =	sst s10  }
0x35: {  	s10 =	sld [smem:$0x3FB1];
	_ =	sdelay $0x3  }
0x36: {  	p1 =	seq.s32 s10, $0x1;
	s10 =	sld [smem:$0x3FB2];
	_ =	sdelay $0x3  }
0x37: {  	[smem:$0x3FB2] =	sst s10  }
0x38: {  	s10 =	sld [smem:$0x3FB3]  }
0x39: {  	_ = 	snop;
	(pc) =	sbr.ind lr, $3  }
0x3a: {  	_ = 	snop  }
0x3b: {  	_ = 	snop  }
0x3c: {  	p2 =	seq.s32 s10, $0x1;
	s10 =	sld [smem:$0x3FB2]  }
0x3d: {  	_ =	shalt  }
0x3e: {  	_ =	shalt  }
0x3f: {  	_ =	shalt  }
0x40: {  	_ =	shalt  }
0x41: {  	_ =	shalt  }
0x42: {  	_ =	shalt  }
0x43: {  	_ =	shalt  }
0x44: {  	_ =	shalt  }
0x45: {  	_ =	shalt  }
0x46: {  	_ =	shalt  }
0x47: {  	_ =	shalt  }
0x48: {  	_ =	shalt  }
0x49: {  	_ =	shalt  }
0x4a: {  	_ =	shalt  }
0x4b: {  	_ =	shalt  }
0x4c: {  	_ =	shalt  }
0x4d: {  	_ =	shalt  }
0x4e: {  	_ =	shalt  }
0x4f: {  	_ =	shalt  }
0x50: {  	_ =	shalt  }
0x51: {  	_ =	shalt  }
0x52: {  	_ =	shalt  }
0x53: {  	_ =	shalt  }
0x54: {  	_ =	shalt  }
0x55: {  	_ =	shalt  }
0x56: {  	_ =	shalt  }
0x57: {  	_ =	shalt  }
0x58: {  	_ =	shalt  }
0x59: {  	_ =	shalt  }
0x5a: {  	_ =	shalt  }
0x5b: {  	_ =	shalt  }
0x5c: {  	_ =	shalt  }
0x5d: {  	_ =	shalt  }
0x5e: {  	_ =	shalt  }
0x5f: {  	_ =	shalt  }
0x60: {  	_ =	shalt  }
0x61: {  	_ =	shalt  }
0x62: {  	_ =	shalt  }
0x63: {  	_ =	shalt  }
0x64: {  	_ =	shalt  }
0x65: {  	_ =	shalt  }
0x66: {  	_ =	shalt  }
0x67: {  	_ =	shalt  }
0x68: {  	_ =	shalt  }
0x69: {  	_ =	shalt  }
0x6a: {  	_ =	shalt  }
0x6b: {  	_ =	shalt  }
0x6c: {  	_ =	shalt  }
0x6d: {  	_ =	shalt  }
0x6e: {  	_ =	shalt  }
0x6f: {  	_ =	shalt  }
0x70: {  	_ =	shalt  }
0x71: {  	_ =	shalt  }
0x72: {  	_ =	shalt  }
0x73: {  	_ =	shalt  }
0x74: {  	_ =	shalt  }
0x75: {  	_ =	shalt  }
0x76: {  	_ =	shalt  }
0x77: {  	_ =	shalt  }
0x78: {  	_ =	shalt  }
0x79: {  	_ =	shalt  }
0x7a: {  	_ =	shalt  }
0x7b: {  	_ =	shalt  }
0x7c: {  	_ =	shalt  }
0x7d: {  	_ =	shalt  }
0x7e: {  	_ =	shalt  }
0x7f: {  	_ =	shalt  }
0x80: {  	_ =	shalt  }
0x81: {  	_ =	shalt  }
0x82: {  	_ =	shalt  }
0x83: {  	_ =	shalt  }
0x84: {  	_ =	shalt  }
0x85: {  	_ =	shalt  }
0x86: {  	_ =	shalt  }
0x87: {  	_ =	shalt  }
.Lfunc_end0:
.L_simem_size_0:
called_computation.2_lowered:
.L_overlay_start_0:
0x88: {  	s0 =	sld [smem:$0x3FD9]  }
0x89: {  	s1 =	sld [smem:$0x3FFE];
	_ =	sdelay $0x3  }
0x8a: {  	s0 =	sadd.s32 s1, s0  }
0x8b: {  	[smem:$0x3FBE] =	sst s0  }
0x8c: {  	_ = 	snop  }
0x8d: {  	(tm) =	ssettm $0x1  }
0x8e: {  	s15 =	sld [smem:$0x3FFB];
	_ =	sdelay $0x3  }
0x8f: {  	_ =	strace s15  }
0x90: {  	s0 =	sld [smem:$0x3FFC];
	_ =	sdelay $0x3  }
0x91: {  	_ =	strace s0  }
0x92: {  	s0 =	sld [smem:$0x3FFD];
	_ =	sdelay $0x3  }
0x93: {  	_ =	strace s0  }
0x94: {  	_ =	strace $0x8FFFFFFF  }
0x95: {  	s16 =	sld [smem:$0x3FDB];
	_ =	sdelay $0x1  }
0x96: {  	s17 =	simm.s32 $_scs_section_size  }
0x97: {  	s2 =	simm.s32 $_size__tile_overlayer_lowered;
	s3 =	simm.s32 $_tile_overlayer_lowered  }
0x98: {  	s20 =	simm.s32 $0x1BFF;
	s19 =	sshll.u32 s3, $0x1;
	s0 =	sadd.s32 s17, s16  }
0x99: {  	s4 =	simm.s32 $0x0;
	s18 =	sshll.u32 s2, $0x1;
	s2 =	sadd.s32 s19, s0  }
0x9a: {  	[timem:s4], [sflag:s20] =	dma.local [hbm:s2], s18  }
0x9b: {  	_ =	swait.ge [sflag:s20], s18  }
0x9c: {  	s1 =	ssub.s32 $0x0, s18;
	[sflag:s20] =	ssyncset.done $0x0  }
0x9d: {  	[sflag:s20] =	ssyncadd.s32 s1;
	_ =	sdelay $0x1  }
0x9e: {  	s21 =	simm.s32 $0x1B8B  }
0x9f: {  	_ =	swait.ge [sflag:s21], $0x1  }
0xa0: {  	[sflag:s21] =	ssyncset.done $0x0  }
0xa1: {  	s23 =	simm.s32 $0x1B8E;
	s22 =	sld [smem:$0x3FFE];
	[sflag:s21] =	ssyncadd.s32 $0xFFFFFFFF  }
0xa2: {  	s24 =	simm.s32 $execute0_lowered;
	[smem:$0x3FD2] =	sst s23  }
0xa3: {  	s2 =	sshll.u32 s24, $0x1;
	_ =	strace $0x8000004C;
	[dreg:$0x1] =	wrdreg $0xFFFFFFFF  }
0xa4: {  	s25 =	simm.s32 $_size_execute0_lowered;
	s0 =	sadd.s32 s0, s2;
	[dreg:$0x0] =	wrdreg $0x0  }
0xa5: {  	s2 =	sshll.u32 s25, $0x1;
	[dreg:$0x2] =	wrdreg s0  }
0xa6: {  	[dreg:$0x3] =	wrdreg s2  }
0xa7: {  	[dreg:$0x4] =	wrdreg $0xC0  }
0xa8: {  	_ =	task [dreg:s4], $0x5FFFF  }
0xa9: {  	[dreg:$0x1] =	wrdreg $0xFFFFFFFF  }
0xaa: {  	[dreg:$0x0] =	wrdreg $0x60  }
0xab: {  	[dreg:$0x2] =	wrdreg s22  }
0xac: {  	[dreg:$0x3] =	wrdreg $0x9  }
0xad: {  	_ =	task.clear_ibuf [dreg:s4], $0x4FFFF;
	_ =	strace $0x9000004C  }
0xae: {  	s26 =	simm.s32 $0x9;
	_ =	strace $0x8000004E  }
0xaf: {  	_ =	swait.ge [sflag:s26], $0x1  }
0xb0: {  	[sflag:s26] =	ssyncadd.s32 $0xFFFFFFFF  }
0xb1: {  	_ =	strace $0x9000004E  }
0xb2: {  	_ =	sfence  }
0xb3: {  	s28 =	sld [smem:$0x0];
	_ =	sdelay $0x1  }
0xb4: {  	s29 =	srdreg.scid  }
0xb5: {  	s30 =	sshll.u32 s29, $0xD;
	s31 =	sshrl.u32 s29, $0x2  }
0xb6: {  	s1 =	sand.u32 $0x1, s29;
	s2 =	sand.u32 $0x4000, s30;
	s0 =	sadd.s32 s31, s28  }
0xb7: {  	s1 =	sor.u32 s2, s1;
	s0 =	sshll.u32 s0, $0x11  }
0xb8: {  	s0 =	sor.u32 s0, s1  }
0xb9: {  	s0 =	sadd.s32 $0x8F2B, s0  }
0xba: {  	[sflag:s0] =	ssyncadd.remote.s32 $0x1  }
0xbb: {  	_ =	sfence.sel $0xFFFF  }
0xbc: {  	[dreg:$0x0] =	wrdreg $0xFFFFFFFF;
	(pc) =	sbr.abs _section_cstart, $3  }
0xbd: {  	[dreg:$0x1] =	wrdreg $0xFFFFFFFF  }
0xbe: {  	_ =	task.clear_ibuf [dreg:s4], $0x2FFFF;
	_ =	strace $0x9FFFFFFF  }
0xbf: {  	(tm) =	ssettm $0x7FFFFFFF  }
tec
execute0_lowered:
.L_overlay_start_1:
0x0: {  	(tag) =	ssettag $0x1  }
0x1: {  	s0 =	stileid.u32  }
0x2: {  	s1 =	smin.u32 s0, $0x9  }
0x3: {  	s1 =	sadd.s32 s0, s1  }
0x4: {  	s2 =	simm.s32 $0x320;
	p0 =	slt.u32 s0, $0x9;
	s1 =	smul.u32 $0x190, s1  }
0x5: {  	s2 =	simm.s32 @!p0 $0x190  }
0x6: {  	s2 =	sadd.s32 s2, s1  }
0x7: {  	s3 =	smin.u32 s2, $0x2710  }
0x8: {  	s7 =	ssub.s32 s3, s1  }
0x9: {  	p0 =	sgt.s32 s7, $0x0  }
0xa: {  	s7 =	simm.s32 @!p0 $0x0  }
0xb: {  	s31 =	sand.u32 $0xFFF0, s7  }
0xc: {  	s2 =	sshrl.u32 s31, $0x4  }
0xd: {  	s2 =	smul.u32 $0xA3E, s2  }
0xe: {  	s4 =	rddreg [dreg:$0x0];
	s6 =	simm.s32 $0x1  }
0xf: {  	s10 =	simm.s32 $0x3;
	s13 =	simm.s32 $0x0;
	s8 =	sshrl.u32 s2, $0x10  }
0x10: {  	s12 =	simm.s32 $0x0;
	s5 =	sadd.s32 $0x600, s4;
	s9 =	smul.u32 $0x190, s8  }
.Ltmp0:
0x11: {  	s11 =	smov.u32 s1;
	s2 =	rddreg [dreg:$0x1];
	(pc) =	sbr.rel .LBB2_1-.Ltmp0, $4  }
0x12: {  	_ =	strace $0x8000004D;
	p0 =	sne.s32 s7, s9;
	s9 =	simm.s32 $0x1  }
0x13: {  	[sflag:s6] =	ssyncpa.u1 $0x0;
	s7 =	simm.s32 $0x2;
	s9 =	simm.s32 @!p0 $0x0  }
0x14: {  	[sflag:s7] =	ssyncpa.u1 $0x0;
	p0 =	por $0x0, $0x0;
	s8 =	sadd.s32 s8, s9  }
0x15: {  	vm0 =	vmmov $0xff;
	vm1 =	vcmask $0x3F20;
	s9 =	sadd.s32 $0x50600, s4;
	[sflag:s10] =	ssyncpa.u1 $0x0;
	s10 =	sadd.s32 $0x1, s8  }
.LBB2_6:
0x16: {  	[hbm:s17] =	stream.linear.scatter [tilespmem:s14], [sflag:$0x3], $0x400, $0x38;
	[tilespmem:$0x19320] =	vst v63  }
.LBB2_7:
0x17: {  	s13 =	sadd.s32 $0x190, s11  }
0x18: {  	s15 =	smov.u32 s1;
	p2 =	slt.s32 s13, s3  }
0x19: {  	s15 =	smov.u32 @p2 s13;
	p2 =	sne.s32 s12, s10  }
.Ltmp1:
0x1a: {  	p1 =	slt.u32 s12, $0x2;
	(pc) =	sbr.rel @!p2 .LBB2_8-.Ltmp1, $4  }
0x1b: {  	s14 =	simm.s32 @!p1 $0x3  }
0x1c: {  	s16 =	sadd.s32 $0x1, s12;
	_ =	swait.ge @!p1 [sflag:s14], $0xC800  }
0x1d: {  	p0 =	por !p0, !p0;
	s13 =	smov.u32 s11;
	[sflag:s14] =	ssyncset.done @!p1 $0x0  }
0x1e: {  	s12 =	smov.u32 s16;
	s11 =	smov.u32 s15;
	[sflag:s14] =	ssyncadd.s32 @!p1 $0xFFFF3800  }
.LBB2_1:
0x1f: {  	p1 =	sge.u32 s12, s8  }
0x20: {  	s14 =	sxor.u32 @!p1 $0xFFFFFFFF, s12  }
0x21: {  	s14 =	sand.u32 @!p1 $0x1, s14  }
0x22: {  	s14 =	smul.u32 @!p1 $0x640, s14  }
0x23: {  	s31 =	sadd.s32 $0xFFFFFFFF, s12;
	s15 =	sshrl.u32 @!p1 s11, $0x3  }
0x24: {  	s16 =	sand.u32 @!p1 $0x7, s11;
	s15 =	sadd.s32 @!p1 s4, s15;
	s14 =	sshrl.u32 @!p1 s14, $0x2  }
0x25: {  	[tilespmem:s14], [sflag:$0x2] =	stream.linear.gather @!p1 [hbm4b:s15+s16], $0x190, $0x38;
	[tilespmem:$0x19320] =	vst v63  }
0x26: {  	p1 =	sge.u32 s31, s8  }
.Ltmp2:
0x27: {  	_ = 	snop;
	(pc) =	sbr.rel @p1 .LBB2_7-.Ltmp2, $1  }
0x28: {  	_ =	sdelay $0x3  }
0x29: {  	s14 =	simm.s32 $0x1  }
0x2a: {  	s14 =	simm.s32 @!p0 $0x0  }
0x2b: {  	s15 =	smul.u32 $0x640, s14  }
0x2c: {  	_ =	swait.ge [sflag:s7], $0x190  }
0x2d: {  	[sflag:s7] =	ssyncset.done $0x0;
	s16 =	sshrl.u32 s15, $0x2  }
0x2e: {  	[sflag:s7] =	ssyncadd.s32 $0xFFFFFE70;
	s15 =	sadd.s32 $0x0, s16  }
0x2f: {  	v0 =	vld.msk [tilespmem:s15+$0x0 ss:$0x1], $0xffff;
	_ =	sdelay $0x4  }
0x30: {  	vm2 =	vgt.s32 v0, $0x0  }
0x31: {  	v0 =	vnsel vm2, $0x0, v0  }
0x32: {  	v0 =	vmin.u32 v0, $0x27FF  }
0x33: {  	v0 =	vshll.u32 v0, $0x4  }
0x34: {  	s14 =	smul.u32 $0x32000, s14;
	_ =	sdelay $0x1  }
0x35: {  	s14 =	sshrl.u32 s14, $0x2  }
0x36: {  	s14 =	sor.u32 $0x320, s14  }
0x37: {  	[tilespmem:s14], [sflag:$0x1] =	stream.indirect_vreg.gather [hbm:s5], $0x80, v0, vm0, $0x38;
	[tilespmem:$0x19320] =	vst v63  }
0x38: {  	s17 =	sadd.s32 $0x10, s16;
	s15 =	sadd.s32 $0x400, s14  }
0x39: {  	[tilespmem:s15], [sflag:$0x1] =	stream.indirect_vreg.gather [hbm:s5], $0x80, v0, vm1, $0x38;
	[tilespmem:$0x19320] =	vst v63  }
0x3a: {  	s18 =	simm.s32 $0x80;
	v0 =	vld.msk [tilespmem:s17+$0x0 ss:$0x1], $0xffff;
	s17 =	smov.u32 s14  }
.LBB2_3:
0x3b: {  	p1 =	sne.s32 s18, $0x600;
	_ =	sdelay $0x4  }
0x3c: {  	vm2 =	vgt.s32 v0, $0x0  }
0x3d: {  	v0 =	vnsel vm2, $0x0, v0  }
0x3e: {  	v0 =	vmin.u32 v0, $0x27FF  }
0x3f: {  	v0 =	vshll.u32 v0, $0x4;
	_ =	sdelay $0x3  }
.Ltmp3:
0x40: {  	s19 =	sshra.s32 s18, $0x2;
	s17 =	sadd.s32 $0x800, s17;
	(pc) =	sbr.rel @p1 .LBB2_3-.Ltmp3, $4  }
0x41: {  	[tilespmem:s17], [sflag:$0x1] =	stream.indirect_vreg.gather [hbm:s5], $0x80, v0, vm0, $0x38;
	[tilespmem:$0x19320] =	vst v63  }
0x42: {  	s19 =	sadd.s32 s19, s16;
	s20 =	sadd.s32 $0x400, s17  }
0x43: {  	[tilespmem:s20], [sflag:$0x1] =	stream.indirect_vreg.gather [hbm:s5], $0x80, v0, vm1, $0x38;
	[tilespmem:$0x19320] =	vst v63  }
0x44: {  	s18 =	sadd.s32 $0x40, s18;
	v0 =	vld.msk [tilespmem:s19+$0x0 ss:$0x1], $0xffff  }
0x45: {  	_ =	sdelay $0x3  }
0x46: {  	vm2 =	vgt.s32 v0, $0x0  }
0x47: {  	v0 =	vnsel vm2, $0x0, v0  }
0x48: {  	v0 =	vmin.u32 v0, $0x27FF  }
0x49: {  	v0 =	vshll.u32 v0, $0x4;
	_ =	sdelay $0x3  }
0x4a: {  	s16 =	sadd.s32 $0x800, s17  }
0x4b: {  	[tilespmem:s16], [sflag:$0x1] =	stream.indirect_vreg.gather [hbm:s5], $0x80, v0, vm0, $0x38;
	[tilespmem:$0x19320] =	vst v63  }
0x4c: {  	s16 =	sadd.s32 $0x400, s16  }
0x4d: {  	[tilespmem:s16], [sflag:$0x1] =	stream.indirect_vreg.gather [hbm:s5], $0x80, v0, vm1, $0x38;
	[tilespmem:$0x19320] =	vst v63  }
0x4e: {  	s13 =	sshll.u32 s13, $0x4;
	_ =	swait.ge [sflag:s6], $0xC800  }
0x4f: {  	s13 =	sadd.s32 s13, s9;
	[sflag:s6] =	ssyncset.done $0x0  }
0x50: {  	s17 =	sadd.s32 $0x0, s13;
	s16 =	simm.s32 $0x80;
	[sflag:s6] =	ssyncadd.s32 $0xFFFF3800  }
.LBB2_5:
0x51: {  	[hbm:s17] =	stream.linear.scatter [tilespmem:s14], [sflag:$0x3], $0x400, $0x38;
	[tilespmem:$0x19320] =	vst v63  }
0x52: {  	s17 =	smov.u32 s16;
	s14 =	smov.u32 s15;
	p1 =	sne.s32 s16, $0x1880  }
.Ltmp4:
0x53: {  	s16 =	sadd.s32 $0x80, s16;
	(pc) =	sbr.rel @p1 .LBB2_5-.Ltmp4, $2  }
0x54: {  	_ =	sdelay $0x2  }
0x55: {  	s15 =	sadd.s32 $0x400, s15;
	s17 =	sadd.s32 s17, s13  }
.Ltmp5:
0x56: {  	_ = 	snop;
	(pc) =	sbr.rel .LBB2_6-.Ltmp5, $1  }
0x57: {  	_ =	sdelay $0x3  }
.LBB2_8:
0x58: {  	_ =	sfence.sel $0x180000  }
0x59: {  	s1 =	simm.s32 $0x2;
	[bflag:$0x0] =	sbarrier.arrive $0xFFFF  }
0x5a: {  	s30 =	simm.s32 $0x3;
	[sflag:s1] =	ssyncpa.u1 $0x1  }
0x5b: {  	s31 =	simm.s32 $0x1;
	[sflag:s30] =	ssyncpa.u1 $0x1  }
0x5c: {  	[sflag:s31] =	ssyncpa.u1 $0x1  }
0x5d: {  	p0 =	sne.s32 s0, $0x0;
	_ =	strace $0x9000004D  }
0x5e: {  	s0 =	sadd.s32 @!p0 $0x100000, s2;
	[bflag:$0x2] =	sbarrier.arrive $0xFFFF  }
0x5f: {  	[sflag:s0] =	ssyncadd.tile.s32 @!p0 $0x1;
	_ =	shalt  }
.Lfunc_end2:
_tile_overlayer_lowered:
.L_overlay_start_2:
0x60: {  	(tag) =	ssettag $0x2  }
0x61: {  	s0 =	rddreg [dreg:$0x0];
	s2 =	stileid.u32  }
0x62: {  	s1 =	rddreg [dreg:$0x1];
	p0 =	sne.s32 s2, $0x0  }
0x63: {  	s3 =	rddreg [dreg:$0x2];
	[bflag:$0x3] =	sbarrier.arrive $0xFFFF;
	s2 =	simm.s32 @!p0 $0x1C01  }
0x64: {  	[timem:s3], [sflag:s2] =	dma.local @!p0 [hbm:s0], s1  }
0x65: {  	s0 =	simm.s32 @!p0 $0x1  }
0x66: {  	_ =	swait.ge @!p0 [sflag:s0], s1  }
0x67: {  	s1 =	ssub.s32 @!p0 $0x0, s1;
	[sflag:s0] =	ssyncset.done @!p0 $0x0  }
0x68: {  	[sflag:s0] =	ssyncadd.s32 @!p0 s1  }
0x69: {  	[bflag:$0x3] =	sbarrier.arrive $0xFFFF  }
0x6a: {  	_ =	shalt  }

// kernel: gather_offload_async_start.3
scs
__scs_entry_jumppad:
0x0: {  	(pc) =	sbr.rel $0x88, $3  }
0x1: {  	(tag) =	ssettag $0x0;
	lr =	simm.s32 $0x1  }
0x2: {  	[smem:$0x3F97] =	sst lr;
	_ =	strace $0xD0000000  }
0x3: {  	_ = 	snop  }
0x4: {  	_ = 	snop  }
0x5: {  	_ = 	snop  }
0x6: {  	_ = 	snop  }
0x7: {  	_ = 	snop  }
__scs_overlays_trampoline_lowered:
0x8: {  	[smem:$0x3FA6] =	sst s0  }
0x9: {  	[smem:$0x3FA7] =	sst s1  }
0xa: {  	[smem:$0x3FA8] =	sst s2  }
0xb: {  	[smem:$0x3FA9] =	sst s3  }
0xc: {  	[smem:$0x3FAA] =	sst s4  }
0xd: {  	[smem:$0x3FAB] =	sst s5  }
0xe: {  	[smem:$0x3FAC] =	sst s6  }
0xf: {  	[smem:$0x3FAD] =	sst s7  }
0x10: {  	[smem:$0x3FAE] =	sst s8  }
0x11: {  	[smem:$0x3FAF] =	sst s9;
	s0 =	simm.s32 @!p0 $0x0  }
0x12: {  	s1 =	sld [smem:$0x3F95];
	s0 =	simm.s32 @p0 $0x1  }
0x13: {  	[smem:$0x3FB0] =	sst s0;
	s0 =	simm.s32 @!p1 $0x0  }
0x14: {  	s2 =	sld [smem:$0x3F94];
	s0 =	simm.s32 @p1 $0x1  }
0x15: {  	[smem:$0x3FB1] =	sst s0;
	s0 =	simm.s32 @!p2 $0x0  }
0x16: {  	s3 =	sld [smem:$0x3FDB];
	s0 =	simm.s32 @p2 $0x1  }
0x17: {  	s4 =	simm.s32 $0x1BF5;
	[smem:$0x3FB3] =	sst s0  }
0x18: {  	s0 =	sld [smem:$0x3F96];
	_ =	swait.ge [sflag:s4], $0x0  }
0x19: {  	s7 =	sld [smem:$0x3F97]  }
0x1a: {  	s8 =	sadd.s32 $0xFFFFE003, lr  }
0x1b: {  	s9 =	sadd.s32 $0xFFFFFEF7, lr;
	s5 =	simm.s32 $0xFFFFFFFF;
	p2 =	slt.u32 s8, $0xFFFFF086  }
0x1c: {  	p1 =	slt.u32 s9, $0xF7A;
	s5 =	simm.s32 @!p2 $0x0  }
0x1d: {  	s5 =	simm.s32 @p1 $0x1;
	p0 =	seq.s32 s7, s2  }
0x1e: {  	s7 =	smul.u32 @!p0 $0xF7A, s2;
	p2 =	seq.s32 @!p0 s5, $0x0  }
0x1f: {  	s9 =	smul.u32 $0xF7A, s1;
	s8 =	simm.s32 @!p0 $0x1BF5;
	p2 =	por !p2, p0  }
0x20: {  	[sflag:s8] =	ssyncset.s32 @!p0 $0xFFFFF086;
	s6 =	sadd.s32 @!p0 s3, s7;
	s7 =	simm.s32 @!p0 $0x108  }
0x21: {  	s3 =	sadd.s32 s3, s9;
	s6 =	sadd.s32 @!p0 $0x88, s6;
	s7 =	simm.s32 @p2 $0x1082  }
0x22: {  	[simem:s7], [sflag:s8] =	dma.local @!p0 [hbm:s6], $0xF7A  }
0x23: {  	s9 =	sor.u32 $0xD0000000, s2;
	s6 =	simm.s32 $0x108;
	_ =	swait.ge @!p0 [sflag:s8], $0x0  }
0x24: {  	s3 =	sadd.s32 $0x88, s3;
	s6 =	simm.s32 @!p1 $0x1082;
	[sflag:s4] =	ssyncset.s32 $0xFFFFF086  }
0x25: {  	[simem:s6], [sflag:s4] =	dma.local [hbm:s3], $0xF7A  }
0x26: {  	[smem:$0x3F97] =	sst s1;
	(tag) =	ssettag s2;
	_ =	strace s9  }
0x27: {  	s1 =	sld [smem:$0x3FA7]  }
0x28: {  	s2 =	sld [smem:$0x3FA8]  }
0x29: {  	s4 =	sld [smem:$0x3FAA]  }
0x2a: {  	p0 =	seq.s32 s5, $0x0;
	s5 =	sld [smem:$0x3FAB]  }
0x2b: {  	s6 =	sld [smem:$0x3FAC]  }
0x2c: {  	s7 =	sld [smem:$0x3FAD]  }
0x2d: {  	s3 =	simm.s32 $0x108;
	s8 =	sld [smem:$0x3FAE]  }
0x2e: {  	s3 =	simm.s32 @!p0 $0x1082;
	s9 =	sld [smem:$0x3FAF]  }
0x2f: {  	lr =	sadd.s32 s0, s3;
	s0 =	sld [smem:$0x3FA6]  }
0x30: {  	s3 =	sld [smem:$0x3FA9]  }
0x31: {  	[smem:$0x3FB2] =	sst s10  }
0x32: {  	s10 =	sld [smem:$0x3FB0];
	_ =	sdelay $0x3  }
0x33: {  	p0 =	seq.s32 s10, $0x1;
	s10 =	sld [smem:$0x3FB2];
	_ =	sdelay $0x3  }
0x34: {  	[smem:$0x3FB2] =	sst s10  }
0x35: {  	s10 =	sld [smem:$0x3FB1];
	_ =	sdelay $0x3  }
0x36: {  	p1 =	seq.s32 s10, $0x1;
	s10 =	sld [smem:$0x3FB2];
	_ =	sdelay $0x3  }
0x37: {  	[smem:$0x3FB2] =	sst s10  }
0x38: {  	s10 =	sld [smem:$0x3FB3]  }
0x39: {  	_ = 	snop;
	(pc) =	sbr.ind lr, $3  }
0x3a: {  	_ = 	snop  }
0x3b: {  	_ = 	snop  }
0x3c: {  	p2 =	seq.s32 s10, $0x1;
	s10 =	sld [smem:$0x3FB2]  }
0x3d: {  	_ =	shalt  }
0x3e: {  	_ =	shalt  }
0x3f: {  	_ =	shalt  }
0x40: {  	_ =	shalt  }
0x41: {  	_ =	shalt  }
0x42: {  	_ =	shalt  }
0x43: {  	_ =	shalt  }
0x44: {  	_ =	shalt  }
0x45: {  	_ =	shalt  }
0x46: {  	_ =	shalt  }
0x47: {  	_ =	shalt  }
0x48: {  	_ =	shalt  }
0x49: {  	_ =	shalt  }
0x4a: {  	_ =	shalt  }
0x4b: {  	_ =	shalt  }
0x4c: {  	_ =	shalt  }
0x4d: {  	_ =	shalt  }
0x4e: {  	_ =	shalt  }
0x4f: {  	_ =	shalt  }
0x50: {  	_ =	shalt  }
0x51: {  	_ =	shalt  }
0x52: {  	_ =	shalt  }
0x53: {  	_ =	shalt  }
0x54: {  	_ =	shalt  }
0x55: {  	_ =	shalt  }
0x56: {  	_ =	shalt  }
0x57: {  	_ =	shalt  }
0x58: {  	_ =	shalt  }
0x59: {  	_ =	shalt  }
0x5a: {  	_ =	shalt  }
0x5b: {  	_ =	shalt  }
0x5c: {  	_ =	shalt  }
0x5d: {  	_ =	shalt  }
0x5e: {  	_ =	shalt  }
0x5f: {  	_ =	shalt  }
0x60: {  	_ =	shalt  }
0x61: {  	_ =	shalt  }
0x62: {  	_ =	shalt  }
0x63: {  	_ =	shalt  }
0x64: {  	_ =	shalt  }
0x65: {  	_ =	shalt  }
0x66: {  	_ =	shalt  }
0x67: {  	_ =	shalt  }
0x68: {  	_ =	shalt  }
0x69: {  	_ =	shalt  }
0x6a: {  	_ =	shalt  }
0x6b: {  	_ =	shalt  }
0x6c: {  	_ =	shalt  }
0x6d: {  	_ =	shalt  }
0x6e: {  	_ =	shalt  }
0x6f: {  	_ =	shalt  }
0x70: {  	_ =	shalt  }
0x71: {  	_ =	shalt  }
0x72: {  	_ =	shalt  }
0x73: {  	_ =	shalt  }
0x74: {  	_ =	shalt  }
0x75: {  	_ =	shalt  }
0x76: {  	_ =	shalt  }
0x77: {  	_ =	shalt  }
0x78: {  	_ =	shalt  }
0x79: {  	_ =	shalt  }
0x7a: {  	_ =	shalt  }
0x7b: {  	_ =	shalt  }
0x7c: {  	_ =	shalt  }
0x7d: {  	_ =	shalt  }
0x7e: {  	_ =	shalt  }
0x7f: {  	_ =	shalt  }
0x80: {  	_ =	shalt  }
0x81: {  	_ =	shalt  }
0x82: {  	_ =	shalt  }
0x83: {  	_ =	shalt  }
0x84: {  	_ =	shalt  }
0x85: {  	_ =	shalt  }
0x86: {  	_ =	shalt  }
0x87: {  	_ =	shalt  }
.Lfunc_end0:
.L_simem_size_0:
called_computation.3_lowered:
.L_overlay_start_0:
0x88: {  	s0 =	sld [smem:$0x3FD9]  }
0x89: {  	s1 =	sld [smem:$0x3FFE];
	_ =	sdelay $0x3  }
0x8a: {  	s0 =	sadd.s32 s1, s0  }
0x8b: {  	[smem:$0x3FBE] =	sst s0  }
0x8c: {  	_ = 	snop  }
0x8d: {  	s0 =	sld [smem:$0x3FD0];
	_ =	sdelay $0x2  }
0x8e: {  	s13 =	simm.s32 $0xB;
	s2 =	simm.s32 $0x10  }
0x8f: {  	[smem:s2], [sflag:s13] =	dma.local [hbm:s0], $0x1  }
0x90: {  	_ =	swait.eq [sflag:s13], $0x1  }
0x91: {  	[sflag:s13] =	ssyncset.done $0x0  }
0x92: {  	[sflag:s13] =	ssyncadd.s32 $0xFFFFFFFF  }
0x93: {  	s14 =	sld [smem:$0x12];
	(tm) =	ssettm $0x1  }
0x94: {  	s15 =	sld [smem:$0x3FFB];
	_ =	sdelay $0x3  }
0x95: {  	_ =	strace s15  }
0x96: {  	s1 =	sld [smem:$0x3FFC];
	_ =	sdelay $0x3  }
0x97: {  	_ =	strace s1  }
0x98: {  	s1 =	sld [smem:$0x3FFD];
	_ =	sdelay $0x3  }
0x99: {  	_ =	strace s1  }
0x9a: {  	_ =	strace $0x8FFFFFFF  }
0x9b: {  	s16 =	sld [smem:$0x3FDB];
	_ =	sdelay $0x1  }
0x9c: {  	s17 =	simm.s32 $_scs_section_size  }
0x9d: {  	s3 =	simm.s32 $_size__tile_overlayer_lowered;
	s4 =	simm.s32 $_tile_overlayer_lowered  }
0x9e: {  	s20 =	simm.s32 $0x1BFF;
	s19 =	sshll.u32 s4, $0x1;
	s1 =	sadd.s32 s17, s16  }
0x9f: {  	s5 =	simm.s32 $0x0;
	s18 =	sshll.u32 s3, $0x1;
	s3 =	sadd.s32 s19, s1  }
0xa0: {  	[timem:s5], [sflag:s20] =	dma.local [hbm:s3], s18  }
0xa1: {  	_ =	swait.ge [sflag:s20], s18  }
0xa2: {  	s2 =	ssub.s32 $0x0, s18;
	[sflag:s20] =	ssyncset.done $0x0  }
0xa3: {  	[sflag:s20] =	ssyncadd.s32 s2;
	_ =	sdelay $0x1  }
0xa4: {  	s21 =	simm.s32 $0x1B8B  }
0xa5: {  	_ =	swait.ge [sflag:s21], $0x1  }
0xa6: {  	[sflag:s21] =	ssyncset.done $0x0  }
0xa7: {  	s23 =	simm.s32 $0x1B8E;
	s22 =	sld [smem:$0x3FFE];
	[sflag:s21] =	ssyncadd.s32 $0xFFFFFFFF  }
0xa8: {  	s24 =	simm.s32 $execute0_lowered;
	[smem:$0x3FD2] =	sst s23  }
0xa9: {  	s3 =	sshll.u32 s24, $0x1;
	_ =	strace $0x8000004F;
	[dreg:$0x1] =	wrdreg $0xFFFFFFFF  }
0xaa: {  	s25 =	simm.s32 $_size_execute0_lowered;
	s1 =	sadd.s32 s1, s3;
	[dreg:$0x0] =	wrdreg $0x0  }
0xab: {  	s3 =	sshll.u32 s25, $0x1;
	[dreg:$0x2] =	wrdreg s1  }
0xac: {  	[dreg:$0x3] =	wrdreg s3  }
0xad: {  	[dreg:$0x4] =	wrdreg $0xC0  }
0xae: {  	_ =	task [dreg:s5], $0x5FFFF  }
0xaf: {  	[dreg:$0x1] =	wrdreg $0xFFFFFFFF  }
0xb0: {  	[dreg:$0x0] =	wrdreg $0x60  }
0xb1: {  	[dreg:$0x2] =	wrdreg s22  }
0xb2: {  	[dreg:$0x3] =	wrdreg s14  }
0xb3: {  	[dreg:$0x4] =	wrdreg $0xA  }
0xb4: {  	_ =	task.clear_ibuf [dreg:s5], $0x5FFFF;
	_ =	strace $0x9000004F  }
0xb5: {  	s26 =	simm.s32 $0xA;
	_ =	strace $0x80000051  }
0xb6: {  	_ =	swait.ge [sflag:s26], $0x1  }
0xb7: {  	[sflag:s26] =	ssyncadd.s32 $0xFFFFFFFF  }
0xb8: {  	_ =	strace $0x90000051  }
0xb9: {  	_ =	sfence  }
0xba: {  	s28 =	sld [smem:$0x0];
	_ =	sdelay $0x1  }
0xbb: {  	s29 =	srdreg.scid  }
0xbc: {  	s30 =	sshll.u32 s29, $0xD;
	s31 =	sshrl.u32 s29, $0x2  }
0xbd: {  	s2 =	sand.u32 $0x4000, s30;
	s1 =	sand.u32 $0x1, s29;
	s0 =	sadd.s32 s31, s28  }
0xbe: {  	s1 =	sor.u32 s2, s1;
	s0 =	sshll.u32 s0, $0x11  }
0xbf: {  	s0 =	sor.u32 s0, s1  }
0xc0: {  	s0 =	sadd.s32 $0x8F2B, s0  }
0xc1: {  	[sflag:s0] =	ssyncadd.remote.s32 $0x1  }
0xc2: {  	_ =	sfence.sel $0xFFFF  }
0xc3: {  	[dreg:$0x0] =	wrdreg $0xFFFFFFFF;
	(pc) =	sbr.abs _section_cstart, $3  }
0xc4: {  	[dreg:$0x1] =	wrdreg $0xFFFFFFFF  }
0xc5: {  	_ =	task.clear_ibuf [dreg:s5], $0x2FFFF;
	_ =	strace $0x9FFFFFFF  }
0xc6: {  	(tm) =	ssettm $0x7FFFFFFF  }
0xc7: {  	_ =	shalt  }
tec
execute0_lowered:
.L_overlay_start_1:
0x0: {  	(tag) =	ssettag $0x1  }
0x1: {  	s0 =	stileid.u32  }
0x2: {  	s1 =	smin.u32 s0, $0x9  }
0x3: {  	s1 =	sadd.s32 s0, s1  }
0x4: {  	s2 =	simm.s32 $0x320;
	p0 =	slt.u32 s0, $0x9;
	s1 =	smul.u32 $0x190, s1  }
0x5: {  	s2 =	simm.s32 @!p0 $0x190  }
0x6: {  	s2 =	sadd.s32 s2, s1  }
0x7: {  	s3 =	smin.u32 s2, $0x2710  }
0x8: {  	s7 =	ssub.s32 s3, s1  }
0x9: {  	p0 =	sgt.s32 s7, $0x0  }
0xa: {  	s7 =	simm.s32 @!p0 $0x0  }
0xb: {  	s31 =	sand.u32 $0xFFF0, s7  }
0xc: {  	s2 =	sshrl.u32 s31, $0x4  }
0xd: {  	s4 =	rddreg [dreg:$0x0];
	s2 =	smul.u32 $0xA3E, s2  }
0xe: {  	s5 =	rddreg [dreg:$0x1]  }
0xf: {  	s6 =	simm.s32 $0x1;
	s10 =	simm.s32 $0x3;
	s8 =	sshrl.u32 s2, $0x10  }
0x10: {  	s13 =	simm.s32 $0x0;
	s12 =	simm.s32 $0x0;
	s9 =	smul.u32 $0x190, s8  }
.Ltmp0:
0x11: {  	s11 =	smov.u32 s1;
	s2 =	rddreg [dreg:$0x2];
	(pc) =	sbr.rel .LBB2_1-.Ltmp0, $4  }
0x12: {  	_ =	strace $0x80000050;
	p0 =	sne.s32 s7, s9;
	s9 =	simm.s32 $0x1  }
0x13: {  	[sflag:s6] =	ssyncpa.u1 $0x0;
	s7 =	simm.s32 $0x2;
	s9 =	simm.s32 @!p0 $0x0  }
0x14: {  	[sflag:s7] =	ssyncpa.u1 $0x0;
	p0 =	por $0x0, $0x0;
	s8 =	sadd.s32 s8, s9  }
0x15: {  	vm0 =	vmmov $0xff;
	vm1 =	vcmask $0x3F20;
	s9 =	sadd.s32 $0x28600, s4;
	[sflag:s10] =	ssyncpa.u1 $0x0;
	s10 =	sadd.s32 $0x1, s8  }
.LBB2_6:
0x16: {  	[hbm:s17] =	stream.linear.scatter [tilespmem:s14], [sflag:$0x3], $0x400, $0x38;
	[tilespmem:$0x19320] =	vst v63  }
.LBB2_7:
0x17: {  	s13 =	sadd.s32 $0x190, s11  }
0x18: {  	s15 =	smov.u32 s1;
	p2 =	slt.s32 s13, s3  }
0x19: {  	s15 =	smov.u32 @p2 s13;
	p2 =	sne.s32 s12, s10  }
.Ltmp1:
0x1a: {  	p1 =	slt.u32 s12, $0x2;
	(pc) =	sbr.rel @!p2 .LBB2_8-.Ltmp1, $4  }
0x1b: {  	s14 =	simm.s32 @!p1 $0x3  }
0x1c: {  	s16 =	sadd.s32 $0x1, s12;
	_ =	swait.ge @!p1 [sflag:s14], $0xC800  }
0x1d: {  	p0 =	por !p0, !p0;
	s13 =	smov.u32 s11;
	[sflag:s14] =	ssyncset.done @!p1 $0x0  }
0x1e: {  	s12 =	smov.u32 s16;
	s11 =	smov.u32 s15;
	[sflag:s14] =	ssyncadd.s32 @!p1 $0xFFFF3800  }
.LBB2_1:
0x1f: {  	p1 =	sge.u32 s12, s8  }
0x20: {  	s14 =	sxor.u32 @!p1 $0xFFFFFFFF, s12  }
0x21: {  	s14 =	sand.u32 @!p1 $0x1, s14  }
0x22: {  	s14 =	smul.u32 @!p1 $0x640, s14  }
0x23: {  	s31 =	sadd.s32 $0xFFFFFFFF, s12;
	s15 =	sshrl.u32 @!p1 s11, $0x3  }
0x24: {  	s16 =	sand.u32 @!p1 $0x7, s11;
	s15 =	sadd.s32 @!p1 s4, s15;
	s14 =	sshrl.u32 @!p1 s14, $0x2  }
0x25: {  	[tilespmem:s14], [sflag:$0x2] =	stream.linear.gather @!p1 [hbm4b:s15+s16], $0x190, $0x38;
	[tilespmem:$0x19320] =	vst v63  }
0x26: {  	p1 =	sge.u32 s31, s8  }
.Ltmp2:
0x27: {  	_ = 	snop;
	(pc) =	sbr.rel @p1 .LBB2_7-.Ltmp2, $1  }
0x28: {  	_ =	sdelay $0x3  }
0x29: {  	s14 =	simm.s32 $0x1  }
0x2a: {  	s14 =	simm.s32 @!p0 $0x0  }
0x2b: {  	s15 =	smul.u32 $0x640, s14  }
0x2c: {  	_ =	swait.ge [sflag:s7], $0x190  }
0x2d: {  	[sflag:s7] =	ssyncset.done $0x0;
	s16 =	sshrl.u32 s15, $0x2  }
0x2e: {  	[sflag:s7] =	ssyncadd.s32 $0xFFFFFE70;
	s15 =	sadd.s32 $0x0, s16  }
0x2f: {  	v0 =	vld.msk [tilespmem:s15+$0x0 ss:$0x1], $0xffff;
	_ =	sdelay $0x4  }
0x30: {  	vm2 =	vgt.s32 v0, $0x0  }
0x31: {  	v0 =	vnsel vm2, $0x0, v0  }
0x32: {  	v0 =	vmin.u32 v0, $0x27FF  }
0x33: {  	v0 =	vshll.u32 v0, $0x4  }
0x34: {  	s14 =	smul.u32 $0x32000, s14;
	_ =	sdelay $0x1  }
0x35: {  	s14 =	sshrl.u32 s14, $0x2  }
0x36: {  	s14 =	sor.u32 $0x320, s14  }
0x37: {  	[tilespmem:s14], [sflag:$0x1] =	stream.indirect_vreg.gather [hbm:s9], $0x80, v0, vm0, $0x38;
	[tilespmem:$0x19320] =	vst v63  }
0x38: {  	s17 =	sadd.s32 $0x10, s16;
	s15 =	sadd.s32 $0x400, s14  }
0x39: {  	[tilespmem:s15], [sflag:$0x1] =	stream.indirect_vreg.gather [hbm:s9], $0x80, v0, vm1, $0x38;
	[tilespmem:$0x19320] =	vst v63  }
0x3a: {  	s18 =	simm.s32 $0x80;
	v0 =	vld.msk [tilespmem:s17+$0x0 ss:$0x1], $0xffff;
	s17 =	smov.u32 s14  }
.LBB2_3:
0x3b: {  	p1 =	sne.s32 s18, $0x600;
	_ =	sdelay $0x4  }
0x3c: {  	vm2 =	vgt.s32 v0, $0x0  }
0x3d: {  	v0 =	vnsel vm2, $0x0, v0  }
0x3e: {  	v0 =	vmin.u32 v0, $0x27FF  }
0x3f: {  	v0 =	vshll.u32 v0, $0x4;
	_ =	sdelay $0x3  }
.Ltmp3:
0x40: {  	s19 =	sshra.s32 s18, $0x2;
	s17 =	sadd.s32 $0x800, s17;
	(pc) =	sbr.rel @p1 .LBB2_3-.Ltmp3, $4  }
0x41: {  	[tilespmem:s17], [sflag:$0x1] =	stream.indirect_vreg.gather [hbm:s9], $0x80, v0, vm0, $0x38;
	[tilespmem:$0x19320] =	vst v63  }
0x42: {  	s19 =	sadd.s32 s19, s16;
	s20 =	sadd.s32 $0x400, s17  }
0x43: {  	[tilespmem:s20], [sflag:$0x1] =	stream.indirect_vreg.gather [hbm:s9], $0x80, v0, vm1, $0x38;
	[tilespmem:$0x19320] =	vst v63  }
0x44: {  	s18 =	sadd.s32 $0x40, s18;
	v0 =	vld.msk [tilespmem:s19+$0x0 ss:$0x1], $0xffff  }
0x45: {  	_ =	sdelay $0x3  }
0x46: {  	vm2 =	vgt.s32 v0, $0x0  }
0x47: {  	v0 =	vnsel vm2, $0x0, v0  }
0x48: {  	v0 =	vmin.u32 v0, $0x27FF  }
0x49: {  	v0 =	vshll.u32 v0, $0x4;
	_ =	sdelay $0x3  }
0x4a: {  	s16 =	sadd.s32 $0x800, s17  }
0x4b: {  	[tilespmem:s16], [sflag:$0x1] =	stream.indirect_vreg.gather [hbm:s9], $0x80, v0, vm0, $0x38;
	[tilespmem:$0x19320] =	vst v63  }
0x4c: {  	s16 =	sadd.s32 $0x400, s16  }
0x4d: {  	[tilespmem:s16], [sflag:$0x1] =	stream.indirect_vreg.gather [hbm:s9], $0x80, v0, vm1, $0x38;
	[tilespmem:$0x19320] =	vst v63  }
0x4e: {  	s13 =	sshll.u32 s13, $0x4;
	_ =	swait.ge [sflag:s6], $0xC800  }
0x4f: {  	s13 =	sadd.s32 s13, s5;
	[sflag:s6] =	ssyncset.done $0x0  }
0x50: {  	s17 =	sadd.s32 $0x0, s13;
	s16 =	simm.s32 $0x80;
	[sflag:s6] =	ssyncadd.s32 $0xFFFF3800  }
.LBB2_5:
0x51: {  	[hbm:s17] =	stream.linear.scatter [tilespmem:s14], [sflag:$0x3], $0x400, $0x38;
	[tilespmem:$0x19320] =	vst v63  }
0x52: {  	s17 =	smov.u32 s16;
	s14 =	smov.u32 s15;
	p1 =	sne.s32 s16, $0x1880  }
.Ltmp4:
0x53: {  	s16 =	sadd.s32 $0x80, s16;
	(pc) =	sbr.rel @p1 .LBB2_5-.Ltmp4, $2  }
0x54: {  	_ =	sdelay $0x2  }
0x55: {  	s15 =	sadd.s32 $0x400, s15;
	s17 =	sadd.s32 s17, s13  }
.Ltmp5:
0x56: {  	_ = 	snop;
	(pc) =	sbr.rel .LBB2_6-.Ltmp5, $1  }
0x57: {  	_ =	sdelay $0x3  }
.LBB2_8:
0x58: {  	_ =	sfence.sel $0x180000  }
0x59: {  	s1 =	simm.s32 $0x2;
	[bflag:$0x0] =	sbarrier.arrive $0xFFFF  }
0x5a: {  	s30 =	simm.s32 $0x3;
	[sflag:s1] =	ssyncpa.u1 $0x1  }
0x5b: {  	s31 =	simm.s32 $0x1;
	[sflag:s30] =	ssyncpa.u1 $0x1  }
0x5c: {  	[sflag:s31] =	ssyncpa.u1 $0x1  }
0x5d: {  	p0 =	sne.s32 s0, $0x0;
	_ =	strace $0x90000050  }
0x5e: {  	s0 =	sadd.s32 @!p0 $0x100000, s2;
	[bflag:$0x2] =	sbarrier.arrive $0xFFFF  }
0x5f: {  	[sflag:s0] =	ssyncadd.tile.s32 @!p0 $0x1;
	_ =	shalt  }
.Lfunc_end2:
_tile_overlayer_lowered:
.L_overlay_start_2:
0x60: {  	(tag) =	ssettag $0x2  }
0x61: {  	s0 =	rddreg [dreg:$0x0];
	s2 =	stileid.u32  }
0x62: {  	s1 =	rddreg [dreg:$0x1];
	p0 =	sne.s32 s2, $0x0  }
0x63: {  	s3 =	rddreg [dreg:$0x2];
	[bflag:$0x3] =	sbarrier.arrive $0xFFFF;
	s2 =	simm.s32 @!p0 $0x1C01  }
0x64: {  	[timem:s3], [sflag:s2] =	dma.local @!p0 [hbm:s0], s1  }
0x65: {  	s0 =	simm.s32 @!p0 $0x1  }
0x66: {  	_ =	swait.ge @!p0 [sflag:s0], s1  }
0x67: {  	s1 =	ssub.s32 @!p0 $0x0, s1;
	[sflag:s0] =	ssyncset.done @!p0 $0x0  }
0x68: {  	[sflag:s0] =	ssyncadd.s32 @!p0 s1  }
0x69: {  	[bflag:$0x3] =	sbarrier.arrive $0xFFFF  }
0x6a: {  	_ =	shalt  }

// kernel: gather_offload_async_start
scs
__scs_entry_jumppad:
0x0: {  	(pc) =	sbr.rel $0x88, $3  }
0x1: {  	(tag) =	ssettag $0x0;
	lr =	simm.s32 $0x1  }
0x2: {  	[smem:$0x3F97] =	sst lr;
	_ =	strace $0xD0000000  }
0x3: {  	_ = 	snop  }
0x4: {  	_ = 	snop  }
0x5: {  	_ = 	snop  }
0x6: {  	_ = 	snop  }
0x7: {  	_ = 	snop  }
__scs_overlays_trampoline_lowered:
0x8: {  	[smem:$0x3FA6] =	sst s0  }
0x9: {  	[smem:$0x3FA7] =	sst s1  }
0xa: {  	[smem:$0x3FA8] =	sst s2  }
0xb: {  	[smem:$0x3FA9] =	sst s3  }
0xc: {  	[smem:$0x3FAA] =	sst s4  }
0xd: {  	[smem:$0x3FAB] =	sst s5  }
0xe: {  	[smem:$0x3FAC] =	sst s6  }
0xf: {  	[smem:$0x3FAD] =	sst s7  }
0x10: {  	[smem:$0x3FAE] =	sst s8  }
0x11: {  	[smem:$0x3FAF] =	sst s9;
	s0 =	simm.s32 @!p0 $0x0  }
0x12: {  	s1 =	sld [smem:$0x3F95];
	s0 =	simm.s32 @p0 $0x1  }
0x13: {  	[smem:$0x3FB0] =	sst s0;
	s0 =	simm.s32 @!p1 $0x0  }
0x14: {  	s2 =	sld [smem:$0x3F94];
	s0 =	simm.s32 @p1 $0x1  }
0x15: {  	[smem:$0x3FB1] =	sst s0;
	s0 =	simm.s32 @!p2 $0x0  }
0x16: {  	s3 =	sld [smem:$0x3FDB];
	s0 =	simm.s32 @p2 $0x1  }
0x17: {  	s4 =	simm.s32 $0x1BF5;
	[smem:$0x3FB3] =	sst s0  }
0x18: {  	s0 =	sld [smem:$0x3F96];
	_ =	swait.ge [sflag:s4], $0x0  }
0x19: {  	s7 =	sld [smem:$0x3F97]  }
0x1a: {  	s8 =	sadd.s32 $0xFFFFE003, lr  }
0x1b: {  	s9 =	sadd.s32 $0xFFFFFEF7, lr;
	s5 =	simm.s32 $0xFFFFFFFF;
	p2 =	slt.u32 s8, $0xFFFFF086  }
0x1c: {  	p1 =	slt.u32 s9, $0xF7A;
	s5 =	simm.s32 @!p2 $0x0  }
0x1d: {  	s5 =	simm.s32 @p1 $0x1;
	p0 =	seq.s32 s7, s2  }
0x1e: {  	s7 =	smul.u32 @!p0 $0xF7A, s2;
	p2 =	seq.s32 @!p0 s5, $0x0  }
0x1f: {  	s9 =	smul.u32 $0xF7A, s1;
	s8 =	simm.s32 @!p0 $0x1BF5;
	p2 =	por !p2, p0  }
0x20: {  	[sflag:s8] =	ssyncset.s32 @!p0 $0xFFFFF086;
	s6 =	sadd.s32 @!p0 s3, s7;
	s7 =	simm.s32 @!p0 $0x108  }
0x21: {  	s3 =	sadd.s32 s3, s9;
	s6 =	sadd.s32 @!p0 $0x88, s6;
	s7 =	simm.s32 @p2 $0x1082  }
0x22: {  	[simem:s7], [sflag:s8] =	dma.local @!p0 [hbm:s6], $0xF7A  }
0x23: {  	s9 =	sor.u32 $0xD0000000, s2;
	s6 =	simm.s32 $0x108;
	_ =	swait.ge @!p0 [sflag:s8], $0x0  }
0x24: {  	s3 =	sadd.s32 $0x88, s3;
	s6 =	simm.s32 @!p1 $0x1082;
	[sflag:s4] =	ssyncset.s32 $0xFFFFF086  }
0x25: {  	[simem:s6], [sflag:s4] =	dma.local [hbm:s3], $0xF7A  }
0x26: {  	[smem:$0x3F97] =	sst s1;
	(tag) =	ssettag s2;
	_ =	strace s9  }
0x27: {  	s1 =	sld [smem:$0x3FA7]  }
0x28: {  	s2 =	sld [smem:$0x3FA8]  }
0x29: {  	s4 =	sld [smem:$0x3FAA]  }
0x2a: {  	p0 =	seq.s32 s5, $0x0;
	s5 =	sld [smem:$0x3FAB]  }
0x2b: {  	s6 =	sld [smem:$0x3FAC]  }
0x2c: {  	s7 =	sld [smem:$0x3FAD]  }
0x2d: {  	s3 =	simm.s32 $0x108;
	s8 =	sld [smem:$0x3FAE]  }
0x2e: {  	s3 =	simm.s32 @!p0 $0x1082;
	s9 =	sld [smem:$0x3FAF]  }
0x2f: {  	lr =	sadd.s32 s0, s3;
	s0 =	sld [smem:$0x3FA6]  }
0x30: {  	s3 =	sld [smem:$0x3FA9]  }
0x31: {  	[smem:$0x3FB2] =	sst s10  }
0x32: {  	s10 =	sld [smem:$0x3FB0];
	_ =	sdelay $0x3  }
0x33: {  	p0 =	seq.s32 s10, $0x1;
	s10 =	sld [smem:$0x3FB2];
	_ =	sdelay $0x3  }
0x34: {  	[smem:$0x3FB2] =	sst s10  }
0x35: {  	s10 =	sld [smem:$0x3FB1];
	_ =	sdelay $0x3  }
0x36: {  	p1 =	seq.s32 s10, $0x1;
	s10 =	sld [smem:$0x3FB2];
	_ =	sdelay $0x3  }
0x37: {  	[smem:$0x3FB2] =	sst s10  }
0x38: {  	s10 =	sld [smem:$0x3FB3]  }
0x39: {  	_ = 	snop;
	(pc) =	sbr.ind lr, $3  }
0x3a: {  	_ = 	snop  }
0x3b: {  	_ = 	snop  }
0x3c: {  	p2 =	seq.s32 s10, $0x1;
	s10 =	sld [smem:$0x3FB2]  }
0x3d: {  	_ =	shalt  }
0x3e: {  	_ =	shalt  }
0x3f: {  	_ =	shalt  }
0x40: {  	_ =	shalt  }
0x41: {  	_ =	shalt  }
0x42: {  	_ =	shalt  }
0x43: {  	_ =	shalt  }
0x44: {  	_ =	shalt  }
0x45: {  	_ =	shalt  }
0x46: {  	_ =	shalt  }
0x47: {  	_ =	shalt  }
0x48: {  	_ =	shalt  }
0x49: {  	_ =	shalt  }
0x4a: {  	_ =	shalt  }
0x4b: {  	_ =	shalt  }
0x4c: {  	_ =	shalt  }
0x4d: {  	_ =	shalt  }
0x4e: {  	_ =	shalt  }
0x4f: {  	_ =	shalt  }
0x50: {  	_ =	shalt  }
0x51: {  	_ =	shalt  }
0x52: {  	_ =	shalt  }
0x53: {  	_ =	shalt  }
0x54: {  	_ =	shalt  }
0x55: {  	_ =	shalt  }
0x56: {  	_ =	shalt  }
0x57: {  	_ =	shalt  }
0x58: {  	_ =	shalt  }
0x59: {  	_ =	shalt  }
0x5a: {  	_ =	shalt  }
0x5b: {  	_ =	shalt  }
0x5c: {  	_ =	shalt  }
0x5d: {  	_ =	shalt  }
0x5e: {  	_ =	shalt  }
0x5f: {  	_ =	shalt  }
0x60: {  	_ =	shalt  }
0x61: {  	_ =	shalt  }
0x62: {  	_ =	shalt  }
0x63: {  	_ =	shalt  }
0x64: {  	_ =	shalt  }
0x65: {  	_ =	shalt  }
0x66: {  	_ =	shalt  }
0x67: {  	_ =	shalt  }
0x68: {  	_ =	shalt  }
0x69: {  	_ =	shalt  }
0x6a: {  	_ =	shalt  }
0x6b: {  	_ =	shalt  }
0x6c: {  	_ =	shalt  }
0x6d: {  	_ =	shalt  }
0x6e: {  	_ =	shalt  }
0x6f: {  	_ =	shalt  }
0x70: {  	_ =	shalt  }
0x71: {  	_ =	shalt  }
0x72: {  	_ =	shalt  }
0x73: {  	_ =	shalt  }
0x74: {  	_ =	shalt  }
0x75: {  	_ =	shalt  }
0x76: {  	_ =	shalt  }
0x77: {  	_ =	shalt  }
0x78: {  	_ =	shalt  }
0x79: {  	_ =	shalt  }
0x7a: {  	_ =	shalt  }
0x7b: {  	_ =	shalt  }
0x7c: {  	_ =	shalt  }
0x7d: {  	_ =	shalt  }
0x7e: {  	_ =	shalt  }
0x7f: {  	_ =	shalt  }
0x80: {  	_ =	shalt  }
0x81: {  	_ =	shalt  }
0x82: {  	_ =	shalt  }
0x83: {  	_ =	shalt  }
0x84: {  	_ =	shalt  }
0x85: {  	_ =	shalt  }
0x86: {  	_ =	shalt  }
0x87: {  	_ =	shalt  }
.Lfunc_end0:
.L_simem_size_0:
called_computation_lowered:
.L_overlay_start_0:
0x88: {  	s2 =	sld [smem:$0x3FD9]  }
0x89: {  	s3 =	sld [smem:$0x3FFE];
	_ =	sdelay $0x1  }
0x8a: {  	s1 =	srdreg.scid  }
0x8b: {  	s0 =	sand.u32 $0x1, s1  }
0x8c: {  	s14 =	sshll.u32 s0, $0xA;
	s2 =	sadd.s32 s3, s2  }
0x8d: {  	s2 =	sadd.s32 s2, s14  }
0x8e: {  	[smem:$0x3FBE] =	sst s2  }
0x8f: {  	_ = 	snop  }
0x90: {  	s2 =	sld [smem:$0x3FD0];
	_ =	sdelay $0x2  }
0x91: {  	s15 =	simm.s32 $0xB;
	s4 =	simm.s32 $0x10  }
0x92: {  	[smem:s4], [sflag:s15] =	dma.local [hbm:s2], $0x1  }
0x93: {  	_ =	swait.eq [sflag:s15], $0x1  }
0x94: {  	[sflag:s15] =	ssyncset.done $0x0  }
0x95: {  	[sflag:s15] =	ssyncadd.s32 $0xFFFFFFFF  }
0x96: {  	s16 =	sld [smem:$0x10];
	(tm) =	ssettm $0x1  }
0x97: {  	s17 =	sld [smem:$0x3FFB];
	_ =	sdelay $0x3  }
0x98: {  	_ =	strace s17  }
0x99: {  	s3 =	sld [smem:$0x3FFC];
	_ =	sdelay $0x3  }
0x9a: {  	_ =	strace s3  }
0x9b: {  	s3 =	sld [smem:$0x3FFD];
	_ =	sdelay $0x3  }
0x9c: {  	_ =	strace s3  }
0x9d: {  	_ =	strace $0x8FFFFFFF  }
0x9e: {  	s18 =	sld [smem:$0x3FDB];
	_ =	sdelay $0x1  }
0x9f: {  	s19 =	simm.s32 $_scs_section_size  }
0xa0: {  	s5 =	simm.s32 $_size__tile_overlayer_lowered;
	s6 =	simm.s32 $_tile_overlayer_lowered  }
0xa1: {  	s22 =	simm.s32 $0x1BFF;
	s21 =	sshll.u32 s6, $0x1;
	s3 =	sadd.s32 s19, s18  }
0xa2: {  	s7 =	simm.s32 $0x0;
	s20 =	sshll.u32 s5, $0x1;
	s5 =	sadd.s32 s21, s3  }
0xa3: {  	[timem:s7], [sflag:s22] =	dma.local [hbm:s5], s20  }
0xa4: {  	_ =	swait.ge [sflag:s22], s20  }
0xa5: {  	s4 =	ssub.s32 $0x0, s20;
	[sflag:s22] =	ssyncset.done $0x0  }
0xa6: {  	[sflag:s22] =	ssyncadd.s32 s4;
	_ =	sdelay $0x1  }
0xa7: {  	s23 =	simm.s32 $0x1B8B  }
0xa8: {  	_ =	swait.ge [sflag:s23], $0x1  }
0xa9: {  	[sflag:s23] =	ssyncset.done $0x0  }
0xaa: {  	s25 =	simm.s32 $0x1B8E;
	s24 =	sld [smem:$0x3FFE];
	[sflag:s23] =	ssyncadd.s32 $0xFFFFFFFF  }
0xab: {  	s26 =	simm.s32 $execute0_lowered;
	[smem:$0x3FD2] =	sst s25  }
0xac: {  	s5 =	sshll.u32 s26, $0x1;
	_ =	strace $0x80000046;
	[dreg:$0x1] =	wrdreg $0xFFFFFFFF  }
0xad: {  	s28 =	simm.s32 $_size_execute0_lowered;
	s3 =	sadd.s32 s3, s5;
	[dreg:$0x0] =	wrdreg $0x0  }
0xae: {  	s5 =	sshll.u32 s28, $0x1;
	[dreg:$0x2] =	wrdreg s3  }
0xaf: {  	[dreg:$0x3] =	wrdreg s5  }
0xb0: {  	[dreg:$0x4] =	wrdreg $0xC0  }
0xb1: {  	_ =	task [dreg:s7], $0x5FFFF  }
0xb2: {  	[dreg:$0x1] =	wrdreg $0xFFFFFFFF  }
0xb3: {  	[dreg:$0x0] =	wrdreg $0x60  }
0xb4: {  	[dreg:$0x2] =	wrdreg s24  }
0xb5: {  	[dreg:$0x3] =	wrdreg s16  }
0xb6: {  	[dreg:$0x4] =	wrdreg $0x9  }
0xb7: {  	_ =	task.clear_ibuf [dreg:s7], $0x5FFFF;
	_ =	strace $0x90000046  }
0xb8: {  	s29 =	simm.s32 $0x9;
	_ =	strace $0x80000048  }
0xb9: {  	_ =	swait.ge [sflag:s29], $0x1  }
0xba: {  	[sflag:s29] =	ssyncadd.s32 $0xFFFFFFFF  }
0xbb: {  	_ =	strace $0x90000048  }
0xbc: {  	_ =	sfence  }
0xbd: {  	s30 =	sld [smem:$0x0];
	_ =	sdelay $0x2  }
0xbe: {  	s31 =	sshll.u32 s1, $0xD;
	s1 =	sshrl.u32 s1, $0x2  }
0xbf: {  	s3 =	sand.u32 $0x4000, s31;
	s1 =	sadd.s32 s1, s30  }
0xc0: {  	s0 =	sor.u32 s3, s0;
	s1 =	sshll.u32 s1, $0x11  }
0xc1: {  	s0 =	sor.u32 s1, s0  }
0xc2: {  	s0 =	sadd.s32 $0x8F2B, s0  }
0xc3: {  	[sflag:s0] =	ssyncadd.remote.s32 $0x1  }
0xc4: {  	_ =	sfence.sel $0xFFFF  }
0xc5: {  	[dreg:$0x0] =	wrdreg $0xFFFFFFFF;
	(pc) =	sbr.abs _section_cstart, $3  }
0xc6: {  	[dreg:$0x1] =	wrdreg $0xFFFFFFFF  }
0xc7: {  	_ =	task.clear_ibuf [dreg:s7], $0x2FFFF;
	_ =	strace $0x9FFFFFFF  }
0xc8: {  	(tm) =	ssettm $0x7FFFFFFF  }
0xc9: {  	_ =	shalt  }
tec
execute0_lowered:
.L_overlay_start_1:
0x0: {  	(tag) =	ssettag $0x1  }
0x1: {  	s0 =	srdreg.scid  }
0x2: {  	s1 =	sshll.u32 s0, $0x4  }
0x3: {  	s0 =	stileid.u32;
	s1 =	sand.u32 $0x10, s1  }
0x4: {  	s9 =	rddreg [dreg:$0x0];
	s1 =	sor.u32 s0, s1  }
0x5: {  	s3 =	rddreg [dreg:$0x1];
	s2 =	smin.u32 s1, $0x8  }
0x6: {  	p0 =	slt.u32 s1, $0x8;
	s2 =	sadd.s32 s1, s2;
	s1 =	simm.s32 $0x200  }
0x7: {  	s6 =	simm.s32 $0x1;
	s2 =	sshll.u32 s2, $0x8;
	s1 =	simm.s32 @!p0 $0x100  }
0x8: {  	s7 =	simm.s32 $0x2;
	s10 =	simm.s32 $0x3;
	s4 =	sadd.s32 s1, s2  }
0x9: {  	s13 =	simm.s32 $0x0;
	s12 =	simm.s32 $0x0;
	s4 =	smin.u32 s4, $0x2800  }
.Ltmp0:
0xa: {  	s5 =	sadd.s32 $0x600, s9;
	s8 =	ssub.s32 s4, s2;
	(pc) =	sbr.rel .LBB2_1-.Ltmp0, $4  }
0xb: {  	s1 =	rddreg [dreg:$0x2];
	_ =	strace $0x80000047;
	p0 =	sgt.s32 s8, $0x0  }
0xc: {  	s9 =	sadd.s32 $0x28600, s9;
	[sflag:s6] =	ssyncpa.u1 $0x0;
	s8 =	simm.s32 @!p0 $0x0  }
0xd: {  	s11 =	smov.u32 s2;
	[sflag:s7] =	ssyncpa.u1 $0x0;
	s8 =	sshrl.u32 s8, $0x8  }
0xe: {  	vm0 =	vmmov $0xff;
	vm1 =	vcmask $0x3F20;
	[sflag:s10] =	ssyncpa.u1 $0x0;
	p0 =	por $0x0, $0x0;
	s10 =	sadd.s32 $0x1, s8  }
.LBB2_6:
0xf: {  	[hbm:s17] =	stream.linear.scatter [tilespmem:s14], [sflag:$0x3], $0x400, $0x38;
	[tilespmem:$0x10200] =	vst v63  }
.LBB2_7:
0x10: {  	s13 =	sadd.s32 $0x100, s11  }
0x11: {  	s15 =	smov.u32 s2;
	p2 =	slt.s32 s13, s4  }
0x12: {  	s15 =	smov.u32 @p2 s13;
	p2 =	sne.s32 s12, s10  }
.Ltmp1:
0x13: {  	p1 =	slt.u32 s12, $0x2;
	(pc) =	sbr.rel @!p2 .LBB2_8-.Ltmp1, $4  }
0x14: {  	s14 =	simm.s32 @!p1 $0x3  }
0x15: {  	s16 =	sadd.s32 $0x1, s12;
	_ =	swait.ge @!p1 [sflag:s14], $0x8000  }
0x16: {  	p0 =	por !p0, !p0;
	s13 =	smov.u32 s11;
	[sflag:s14] =	ssyncset.done @!p1 $0x0  }
0x17: {  	s12 =	smov.u32 s16;
	s11 =	smov.u32 s15;
	[sflag:s14] =	ssyncadd.s32 @!p1 $0xFFFF8000  }
.LBB2_1:
0x18: {  	p1 =	sge.u32 s12, s8  }
0x19: {  	s14 =	sxor.u32 @!p1 $0xFFFFFFFF, s12  }
0x1a: {  	s31 =	sadd.s32 $0xFFFFFFFF, s12;
	s15 =	sshrl.u32 @!p1 s11, $0x3;
	s14 =	sshll.u32 @!p1 s14, $0x8  }
0x1b: {  	s16 =	sand.u32 @!p1 $0x7, s11;
	s15 =	sadd.s32 @!p1 s3, s15;
	s14 =	sand.u32 @!p1 $0x100, s14  }
0x1c: {  	[tilespmem:s14], [sflag:$0x2] =	stream.linear.gather @!p1 [hbm4b:s15+s16], $0x100, $0x38;
	[tilespmem:$0x10200] =	vst v63  }
0x1d: {  	p1 =	sge.u32 s31, s8  }
.Ltmp2:
0x1e: {  	_ = 	snop;
	(pc) =	sbr.rel @p1 .LBB2_7-.Ltmp2, $1  }
0x1f: {  	_ =	sdelay $0x3  }
0x20: {  	s14 =	simm.s32 $0x1  }
0x21: {  	_ =	swait.ge [sflag:s7], $0x100;
	s14 =	simm.s32 @!p0 $0x0  }
0x22: {  	[sflag:s7] =	ssyncset.done $0x0;
	s16 =	sshll.u32 s14, $0x8  }
0x23: {  	[sflag:s7] =	ssyncadd.s32 $0xFFFFFF00;
	s15 =	sadd.s32 $0x0, s16  }
0x24: {  	v0 =	vld.msk [tilespmem:s15+$0x0 ss:$0x1], $0xffff;
	_ =	sdelay $0x4  }
0x25: {  	vm2 =	vgt.s32 v0, $0x0  }
0x26: {  	v0 =	vnsel vm2, $0x0, v0  }
0x27: {  	v0 =	vmin.u32 v0, $0x27FF  }
0x28: {  	v0 =	vshll.u32 v0, $0x4;
	_ =	sdelay $0x2  }
0x29: {  	s14 =	sshll.u32 s14, $0xF  }
0x2a: {  	s14 =	sor.u32 $0x200, s14  }
0x2b: {  	[tilespmem:s14], [sflag:$0x1] =	stream.indirect_vreg.gather [hbm:s5], $0x80, v0, vm0, $0x38;
	[tilespmem:$0x10200] =	vst v63  }
0x2c: {  	s17 =	sadd.s32 $0x10, s16;
	s15 =	sadd.s32 $0x400, s14  }
0x2d: {  	[tilespmem:s15], [sflag:$0x1] =	stream.indirect_vreg.gather [hbm:s5], $0x80, v0, vm1, $0x38;
	[tilespmem:$0x10200] =	vst v63  }
0x2e: {  	s18 =	simm.s32 $0x80;
	v0 =	vld.msk [tilespmem:s17+$0x0 ss:$0x1], $0xffff;
	s17 =	smov.u32 s14  }
.LBB2_3:
0x2f: {  	p1 =	sne.s32 s18, $0x3C0;
	_ =	sdelay $0x4  }
0x30: {  	vm2 =	vgt.s32 v0, $0x0  }
0x31: {  	v0 =	vnsel vm2, $0x0, v0  }
0x32: {  	v0 =	vmin.u32 v0, $0x27FF  }
0x33: {  	v0 =	vshll.u32 v0, $0x4;
	_ =	sdelay $0x3  }
.Ltmp3:
0x34: {  	s19 =	sshra.s32 s18, $0x2;
	s17 =	sadd.s32 $0x800, s17;
	(pc) =	sbr.rel @p1 .LBB2_3-.Ltmp3, $4  }
0x35: {  	[tilespmem:s17], [sflag:$0x1] =	stream.indirect_vreg.gather [hbm:s5], $0x80, v0, vm0, $0x38;
	[tilespmem:$0x10200] =	vst v63  }
0x36: {  	s19 =	sadd.s32 s19, s16;
	s20 =	sadd.s32 $0x400, s17  }
0x37: {  	[tilespmem:s20], [sflag:$0x1] =	stream.indirect_vreg.gather [hbm:s5], $0x80, v0, vm1, $0x38;
	[tilespmem:$0x10200] =	vst v63  }
0x38: {  	s18 =	sadd.s32 $0x40, s18;
	v0 =	vld.msk [tilespmem:s19+$0x0 ss:$0x1], $0xffff  }
0x39: {  	_ =	sdelay $0x3  }
0x3a: {  	vm2 =	vgt.s32 v0, $0x0  }
0x3b: {  	v0 =	vnsel vm2, $0x0, v0  }
0x3c: {  	v0 =	vmin.u32 v0, $0x27FF  }
0x3d: {  	v0 =	vshll.u32 v0, $0x4;
	_ =	sdelay $0x3  }
0x3e: {  	s16 =	sadd.s32 $0x800, s17  }
0x3f: {  	[tilespmem:s16], [sflag:$0x1] =	stream.indirect_vreg.gather [hbm:s5], $0x80, v0, vm0, $0x38;
	[tilespmem:$0x10200] =	vst v63  }
0x40: {  	s16 =	sadd.s32 $0x400, s16  }
0x41: {  	[tilespmem:s16], [sflag:$0x1] =	stream.indirect_vreg.gather [hbm:s5], $0x80, v0, vm1, $0x38;
	[tilespmem:$0x10200] =	vst v63  }
0x42: {  	s13 =	sshll.u32 s13, $0x4;
	_ =	swait.ge [sflag:s6], $0x8000  }
0x43: {  	s13 =	sadd.s32 s13, s9;
	[sflag:s6] =	ssyncset.done $0x0  }
0x44: {  	s17 =	sadd.s32 $0x0, s13;
	s16 =	simm.s32 $0x80;
	[sflag:s6] =	ssyncadd.s32 $0xFFFF8000  }
.LBB2_5:
0x45: {  	[hbm:s17] =	stream.linear.scatter [tilespmem:s14], [sflag:$0x3], $0x400, $0x38;
	[tilespmem:$0x10200] =	vst v63  }
0x46: {  	s17 =	smov.u32 s16;
	s14 =	smov.u32 s15;
	p1 =	sne.s32 s16, $0xF80  }
.Ltmp4:
0x47: {  	s16 =	sadd.s32 $0x80, s16;
	(pc) =	sbr.rel @p1 .LBB2_5-.Ltmp4, $2  }
0x48: {  	_ =	sdelay $0x2  }
0x49: {  	s15 =	sadd.s32 $0x400, s15;
	s17 =	sadd.s32 s17, s13  }
.Ltmp5:
0x4a: {  	_ = 	snop;
	(pc) =	sbr.rel .LBB2_6-.Ltmp5, $1  }
0x4b: {  	_ =	sdelay $0x3  }
.LBB2_8:
0x4c: {  	_ =	sfence.sel $0x180000  }
0x4d: {  	s2 =	simm.s32 $0x2;
	[bflag:$0x0] =	sbarrier.arrive $0xFFFF  }
0x4e: {  	s30 =	simm.s32 $0x3;
	[sflag:s2] =	ssyncpa.u1 $0x1  }
0x4f: {  	s31 =	simm.s32 $0x1;
	[sflag:s30] =	ssyncpa.u1 $0x1  }
0x50: {  	[sflag:s31] =	ssyncpa.u1 $0x1  }
0x51: {  	p0 =	sne.s32 s0, $0x0;
	_ =	strace $0x90000047  }
0x52: {  	s0 =	sadd.s32 @!p0 $0x100000, s1;
	[bflag:$0x2] =	sbarrier.arrive $0xFFFF  }
0x53: {  	[sflag:s0] =	ssyncadd.tile.s32 @!p0 $0x1;
	_ =	shalt  }
.Lfunc_end2:
_tile_overlayer_lowered:
.L_overlay_start_2:
0x54: {  	(tag) =	ssettag $0x2  }
0x55: {  	s0 =	rddreg [dreg:$0x0];
	s2 =	stileid.u32  }
0x56: {  	s1 =	rddreg [dreg:$0x1];
	p0 =	sne.s32 s2, $0x0  }
0x57: {  	s3 =	rddreg [dreg:$0x2];
	[bflag:$0x3] =	sbarrier.arrive $0xFFFF;
	s2 =	simm.s32 @!p0 $0x1C01  }
0x58: {  	[timem:s3], [sflag:s2] =	dma.local @!p0 [hbm:s0], s1  }
0x59: {  	s0 =	simm.s32 @!p0 $0x1  }
0x5a: {  	_ =	swait.ge @!p0 [sflag:s0], s1  }
0x5b: {  	s1 =	ssub.s32 @!p0 $0x0, s1;
	[sflag:s0] =	ssyncset.done @!p0 $0x0  }
0x5c: {  	[sflag:s0] =	ssyncadd.s32 @!p0 s1  }
0x5d: {  	[bflag:$0x3] =	sbarrier.arrive $0xFFFF  }
0x5e: {  	_ =	shalt  }

</sc_bundles>
